<compile_context>
chip_gen: v7x
topology: tpu7x:2x2x1
jax: 0.10.2.dev20260603
libtpu: 0.0.44.dev20260713+nightly
codegen_flags: <defaults>
</compile_context>

<pallas_src>
import functools

import jax
import jax.numpy as jnp
from jax import lax
from jax.experimental import pallas as pl
from jax.experimental.pallas import tpu as pltpu
from jax.experimental.pallas import tpu_sc as plsc

B = 16384
F = 26
V = 100000
D = 16
FD = F * D
H0, H1 = 400, 400

NC, NS = 2, 16
NW = NC * NS
BF = B * F
CW = 128
CH = BF // NW // CW
CPF = B // CW
GRP = 4
NGROUPS = CH // GRP
GROWS = GRP * CW


def _sc_gather_body(table_hbm, idx_hbm, out_hbm, idx_v, buf0, buf1,
                    gsem0, gsem1):
    wid = lax.axis_index("s") * NC + lax.axis_index("c")
    pltpu.sync_copy(idx_hbm.at[wid], idx_v)

    bufs = (buf0, buf1)
    gsems = (gsem0, gsem1)

    def fire_group(gi, s):
        c0 = wid * CH + gi * GRP
        f = c0 // CPF
        for cc in range(GRP):
            j = gi * GRP + cc
            pltpu.async_copy(table_hbm.at[f].at[idx_v.at[j]],
                             bufs[s].at[pl.ds(cc * CW, CW)], gsems[s])

    fire_group(0, 0)

    def outer(k, _):
        for s in range(2):
            gi = 2 * k + s

            @pl.when(gi + 1 < NGROUPS)
            def _():
                fire_group(gi + 1, (s + 1) % 2)

            c0 = wid * CH + gi * GRP
            f = c0 // CPF
            b0 = (c0 % CPF) * CW
            for cc in range(GRP):
                j = gi * GRP + cc
                pltpu.make_async_copy(table_hbm.at[f].at[idx_v.at[j]],
                                      bufs[s].at[pl.ds(cc * CW, CW)],
                                      gsems[s]).wait()
            pltpu.sync_copy(bufs[s],
                            out_hbm.at[pl.ds(b0, GROWS), pl.ds(f * D, D)])
        return _

    lax.fori_loop(0, NGROUPS // 2, outer, None)


def _sc_gather(embed, idx3d):
    mesh = plsc.VectorSubcoreMesh(core_axis_name="c", subcore_axis_name="s")
    k = functools.partial(
        pl.kernel, mesh=mesh,
        out_type=jax.ShapeDtypeStruct((B, FD), jnp.float32),
        compiler_params=pltpu.CompilerParams(use_tc_tiling_on_sc=False),
        scratch_types=[
            pltpu.VMEM((CH, CW), jnp.int32),
            pltpu.VMEM((GROWS, D), jnp.float32),
            pltpu.VMEM((GROWS, D), jnp.float32),
            pltpu.SemaphoreType.DMA,
            pltpu.SemaphoreType.DMA,
        ],
    )(_sc_gather_body)
    return k(embed, idx3d)


TBL = 102400
TROWS = TBL * D // 128
NVB = (V + TBL - 1) // TBL
VROWS = NVB * TROWS
VP = VROWS * 128 // D


def _tpose_body(in_ref, out_ref):
    x = in_ref[0]
    w = jnp.concatenate(
        [x[:, TROWS * s:TROWS * (s + 1)] for s in range(8)], axis=0)
    out_ref[0] = w.T


def _tpose(embT):
    return pl.pallas_call(
        _tpose_body,
        grid=(F, NVB),
        in_specs=[pl.BlockSpec((1, D, TBL), lambda f, j: (f, 0, j))],
        out_specs=pl.BlockSpec((1, TROWS, 128), lambda f, j: (f, j, 0)),
        out_shape=jax.ShapeDtypeStruct((F, VROWS, 128), jnp.float32),
    )(embT)


def _mlp_body(x_ref, w0_ref, b0_ref, w1_ref, b1_ref, w2_ref, b2_ref, o_ref):
    x = x_ref[...]
    h = jnp.dot(x, w0_ref[...], preferred_element_type=jnp.float32)
    h = jnp.maximum(h + b0_ref[...], 0.0)
    h = jnp.dot(h, w1_ref[...], preferred_element_type=jnp.float32)
    h = jnp.maximum(h + b1_ref[...], 0.0)
    l = jnp.dot(h, w2_ref[...], preferred_element_type=jnp.float32)
    l = l + b2_ref[...]
    o_ref[...] = jax.nn.sigmoid(l)


MB = 2048


def _mlp(xw, w0, b0, w1, b1, w2, b2):
    return pl.pallas_call(
        _mlp_body,
        grid=(B // MB,),
        in_specs=[
            pl.BlockSpec((MB, FD), lambda i: (i, 0)),
            pl.BlockSpec((FD, H0), lambda i: (0, 0)),
            pl.BlockSpec((1, H0), lambda i: (0, 0)),
            pl.BlockSpec((H0, H1), lambda i: (0, 0)),
            pl.BlockSpec((1, H1), lambda i: (0, 0)),
            pl.BlockSpec((H1, 1), lambda i: (0, 0)),
            pl.BlockSpec((1, 1), lambda i: (0, 0)),
        ],
        out_specs=pl.BlockSpec((MB, 1), lambda i: (i, 0)),
        out_shape=jax.ShapeDtypeStruct((B, 1), jnp.float32),
    )(xw, w0, b0.reshape(1, H0), w1, b1.reshape(1, H1), w2,
      b2.reshape(1, 1))


def kernel(indices, embed, w0, b0, w1, b1, w2, b2):
    v = indices.astype(jnp.int32)
    rows = ((v // TBL) * TBL + (v % TROWS) * 8 + (v // TROWS) % 8)
    idx3d = rows.T.reshape(NW, CH, CW)
    embT = jnp.transpose(embed, (0, 2, 1))
    table = _tpose(embT).reshape(F, VP, D)
    xw = _sc_gather(table, idx3d)
    out = _mlp(xw, w0, b0, w1, b1, w2, b2)
    return out[:, 0]

# --- scband reference (transcript-rebuilt; emitter-appended) ---
"""Pipeline reference for scband-fnn-28544352649644 (READ-ONLY COPY).

The authoritative reference and input builder live on the scoring server;
editing this copy changes nothing except your own understanding.
"""

import jax, jax.numpy as jnp
import numpy as np

B = 16384
F = 26
V = 100000
D = 16
H0, H1, H2 = 400, 400, 1

def _xavier(key, shape):
    fan_in, fan_out = shape[0], shape[-1]
    limit = np.sqrt(6.0 / (fan_in + fan_out))
    return jax.random.uniform(key, shape, dtype=jnp.float32, minval=-limit, maxval=limit)

def setup_inputs(seed: int = 0) -> dict:
    key = jax.random.key(seed)
    ks = jax.random.split(key, 8)
    indices = jax.random.randint(ks[0], (B, F), 0, V, dtype=jnp.int64 if jax.config.jax_enable_x64 else jnp.int32).astype(jnp.int32)
    embed = _xavier(ks[1], (F, V, D))
    node_in = F * D
    w0 = _xavier(ks[2], (node_in, H0))
    b0 = jnp.zeros((H0,), dtype=jnp.float32)
    w1 = _xavier(ks[3], (H0, H1))
    b1 = jnp.zeros((H1,), dtype=jnp.float32)
    w2 = _xavier(ks[4], (H1, H2))
    b2 = jnp.zeros((H2,), dtype=jnp.float32)
    return {"indices": indices, "embed": embed, "w0": w0, "b0": b0, "w1": w1, "b1": b1, "w2": w2, "b2": b2}

def reference(indices, embed, w0, b0, w1, b1, w2, b2):
    # One-hot sparse matmul per field == embedding table row gather per field.
    # embed: [F, V, D]; indices: [B, F] -> xw: [B, F, D]
    xw = jax.vmap(lambda tbl, idx: jnp.take(tbl, idx, axis=0), in_axes=(0, 1), out_axes=1)(embed, indices)
    xw = xw.reshape(indices.shape[0], -1)  # [B, F*D] (concat of field embeddings)
    l = jax.nn.relu(jnp.matmul(xw, w0) + b0)
    l = jax.nn.relu(jnp.matmul(l, w1) + b1)
    l = jnp.matmul(l, w2) + b2  # linear ('none') activation on last layer
    l = jnp.squeeze(l, axis=-1)  # [B]
    y_prob = jax.nn.sigmoid(l)
    return y_prob

if __name__ == "__main__":
    import jax
    _d = setup_inputs()
    print(jax.jit(kernel)(*tuple(_d.values())))

</pallas_src>

<mosaic_0001>
#map = affine_map<(d0, d1) -> (0, 0, 0)>
#map1 = affine_map<(d0, d1) -> (0, 0)>
module attributes {stable_mosaic.version = 14 : i64} {
  func.func @_sc_gather_body(%arg0: i32, %arg1: i32, %arg2: memref<26x102400x16xf32, #tpu.memory_space<hbm>>, %arg3: memref<32x104x128xi32, #tpu.memory_space<hbm>>, %arg4: memref<16384x416xf32, #tpu.memory_space<hbm>>, %arg5: memref<104x128xi32, #tpu.memory_space<vmem>>, %arg6: memref<512x16xf32, #tpu.memory_space<vmem>>, %arg7: memref<512x16xf32, #tpu.memory_space<vmem>>, %arg8: memref<!tpu.dma_semaphore, #tpu.memory_space<semaphore_mem>>, %arg9: memref<!tpu.dma_semaphore, #tpu.memory_space<semaphore_mem>>) attributes {dimension_semantics = [#tpu.dimension_semantics<core_parallel>, #tpu.dimension_semantics<subcore_parallel>], iteration_bounds = array<i64: 2, 16>, scalar_prefetch = 0 : i64, scratch_operands = 5 : i64, tpu.core_type = #tpu.core_type<sc_vector_subcore>, window_params = [{transform_indices = #map}, {transform_indices = #map}, {transform_indices = #map1}]} {
    %mul3A = arith.constant 2 : i32
    %mul3A_0 = arith.muli %arg1, %mul3A : i32
    %add3A = arith.addi %mul3A_0, %arg0 : i32
    "tpu.region"() ({
      %run_scoped3A = tpu.sem_alloc : memref<!tpu.dma_semaphore, #tpu.memory_space<semaphore_mem>>
      %dma_start3A_80 = arith.constant 0 : i32
      %dma_start3A_81 = arith.constant 0 : i32
      %dma_start3A_82 = tpu.memref_slice %arg3[%add3A, %dma_start3A_80, %dma_start3A_81] : memref<32x104x128xi32, #tpu.memory_space<hbm>> -> memref<1x104x128xi32, #tpu.memory_space<hbm>>
      %dma_start3A_83 = tpu.memref_squeeze %dma_start3A_82 : memref<1x104x128xi32, #tpu.memory_space<hbm>> -> memref<104x128xi32, #tpu.memory_space<hbm>>
      %dma_start3A_84 = arith.constant 0 : i32
      %dma_start3A_85 = arith.constant 0 : i32
      %dma_start3A_86 = tpu.memref_slice %arg3[%add3A, %dma_start3A_84, %dma_start3A_85] : memref<32x104x128xi32, #tpu.memory_space<hbm>> -> memref<1x104x128xi32, #tpu.memory_space<hbm>>
      %dma_start3A_87 = tpu.memref_squeeze %dma_start3A_86 : memref<1x104x128xi32, #tpu.memory_space<hbm>> -> memref<104x128xi32, #tpu.memory_space<hbm>>
      tpu.enqueue_dma source(%dma_start3A_87 : memref<104x128xi32, #tpu.memory_space<hbm>>) target(%arg5 : memref<104x128xi32, #tpu.memory_space<vmem>>) target_semaphore(%run_scoped3A : memref<!tpu.dma_semaphore, #tpu.memory_space<semaphore_mem>>)
      %dma_wait3A = arith.constant 0 : i32
      %dma_wait3A_88 = arith.constant 0 : i32
      %dma_wait3A_89 = tpu.memref_slice %arg3[%add3A, %dma_wait3A, %dma_wait3A_88] : memref<32x104x128xi32, #tpu.memory_space<hbm>> -> memref<1x104x128xi32, #tpu.memory_space<hbm>>
      %dma_wait3A_90 = tpu.memref_squeeze %dma_wait3A_89 : memref<1x104x128xi32, #tpu.memory_space<hbm>> -> memref<104x128xi32, #tpu.memory_space<hbm>>
      %dma_wait3A_91 = arith.constant 0 : i32
      %dma_wait3A_92 = arith.constant 0 : i32
      %dma_wait3A_93 = tpu.memref_slice %arg3[%add3A, %dma_wait3A_91, %dma_wait3A_92] : memref<32x104x128xi32, #tpu.memory_space<hbm>> -> memref<1x104x128xi32, #tpu.memory_space<hbm>>
      %dma_wait3A_94 = tpu.memref_squeeze %dma_wait3A_93 : memref<1x104x128xi32, #tpu.memory_space<hbm>> -> memref<104x128xi32, #tpu.memory_space<hbm>>
      tpu.wait_dma2 semaphore(%run_scoped3A : memref<!tpu.dma_semaphore, #tpu.memory_space<semaphore_mem>>) src(%dma_wait3A_94 : memref<104x128xi32, #tpu.memory_space<hbm>>) dst(%arg5 : memref<104x128xi32, #tpu.memory_space<vmem>>)
      tpu.yield
    }) : () -> ()
    %mul3A_1 = arith.constant 104 : i32
    %mul3A_2 = arith.muli %add3A, %mul3A_1 : i32
    %add3A_3 = arith.constant 0 : i32
    %add3A_4 = arith.addi %mul3A_2, %add3A_3 : i32
    %jit3A = arith.constant 128 : i32
    %div3A = arith.divsi %add3A_4, %jit3A : i32
    %sign3A = arith.constant 0 : i32
    %sign3A_5 = arith.cmpi sgt, %add3A_4, %sign3A : i32
    %sign3A_6 = arith.extui %sign3A_5 : i1 to i32
    %sign3A_7 = arith.constant 0 : i32
    %sign3A_8 = arith.cmpi slt, %add3A_4, %sign3A_7 : i32
    %sign3A_9 = arith.extui %sign3A_8 : i1 to i32
    %sign3A_10 = arith.subi %sign3A_6, %sign3A_9 : i32
    %sign3A_11 = arith.constant 0 : i32
    %sign3A_12 = arith.cmpi sgt, %jit3A, %sign3A_11 : i32
    %sign3A_13 = arith.extui %sign3A_12 : i1 to i32
    %sign3A_14 = arith.constant 0 : i32
    %sign3A_15 = arith.cmpi slt, %jit3A, %sign3A_14 : i32
    %sign3A_16 = arith.extui %sign3A_15 : i1 to i32
    %sign3A_17 = arith.subi %sign3A_13, %sign3A_16 : i32
    %ne3A = arith.cmpi ne, %sign3A_10, %sign3A_17 : i32
    %rem3A = arith.remsi %add3A_4, %jit3A : i32
    %ne3A_18 = arith.constant 0 : i32
    %ne3A_19 = arith.cmpi ne, %rem3A, %ne3A_18 : i32
    %and3A = arith.andi %ne3A, %ne3A_19 : i1
    %sub3A = arith.constant 1 : i32
    %sub3A_20 = arith.subi %div3A, %sub3A : i32
    %select_n3A = arith.select %and3A, %sub3A_20, %div3A : i32
    %dma_start3A = arith.constant 0 : i32
    %dma_start3A_21 = arith.constant 0 : i32
    %dma_start3A_22 = arith.constant 0 : i32
    %dma_start3A_23 = tpu.memref_slice %arg6[%dma_start3A_21, %dma_start3A_22] : memref<512x16xf32, #tpu.memory_space<vmem>> -> memref<128x16xf32, #tpu.memory_space<vmem>>
    %dma_start3A_24 = arith.constant 0 : i32
    %dma_start3A_25 = tpu.memref_slice %arg5[%dma_start3A, %dma_start3A_24] : memref<104x128xi32, #tpu.memory_space<vmem>> -> memref<1x128xi32, #tpu.memory_space<vmem>>
    %dma_start3A_26 = tpu.memref_squeeze %dma_start3A_25 : memref<1x128xi32, #tpu.memory_space<vmem>> -> memref<128xi32, #tpu.memory_space<vmem>>
    %dma_start3A_27 = arith.constant 0 : i32
    %dma_start3A_28 = arith.constant 0 : i32
    %dma_start3A_29 = tpu.memref_slice %arg2[%select_n3A, %dma_start3A_27, %dma_start3A_28] : memref<26x102400x16xf32, #tpu.memory_space<hbm>> -> memref<1x102400x16xf32, #tpu.memory_space<hbm>>
    %dma_start3A_30 = tpu.memref_squeeze %dma_start3A_29 : memref<1x102400x16xf32, #tpu.memory_space<hbm>> -> memref<102400x16xf32, #tpu.memory_space<hbm>>
    %dma_start3A_31 = arith.constant 0 : i32
    %dma_start3A_32 = arith.constant 0 : i32
    %dma_start3A_33 = tpu.memref_slice %dma_start3A_30[%dma_start3A_31, %dma_start3A_32] : memref<102400x16xf32, #tpu.memory_space<hbm>> -> memref<102400x16xf32, #tpu.memory_space<hbm>>
    tpu.enqueue_indirect_dma source(%dma_start3A_33 : memref<102400x16xf32, #tpu.memory_space<hbm>>) target(%dma_start3A_23 : memref<128x16xf32, #tpu.memory_space<vmem>>) offsets(%dma_start3A_26 : memref<128xi32, #tpu.memory_space<vmem>>) semaphore(%arg8 : memref<!tpu.dma_semaphore, #tpu.memory_space<semaphore_mem>>)
    %dma_start3A_34 = arith.constant 1 : i32
    %dma_start3A_35 = arith.constant 128 : i32
    %dma_start3A_36 = arith.constant 0 : i32
    %dma_start3A_37 = tpu.memref_slice %arg6[%dma_start3A_35, %dma_start3A_36] : memref<512x16xf32, #tpu.memory_space<vmem>> -> memref<128x16xf32, #tpu.memory_space<vmem>>
    %dma_start3A_38 = arith.constant 0 : i32
    %dma_start3A_39 = tpu.memref_slice %arg5[%dma_start3A_34, %dma_start3A_38] : memref<104x128xi32, #tpu.memory_space<vmem>> -> memref<1x128xi32, #tpu.memory_space<vmem>>
    %dma_start3A_40 = tpu.memref_squeeze %dma_start3A_39 : memref<1x128xi32, #tpu.memory_space<vmem>> -> memref<128xi32, #tpu.memory_space<vmem>>
    %dma_start3A_41 = arith.constant 0 : i32
    %dma_start3A_42 = arith.constant 0 : i32
    %dma_start3A_43 = tpu.memref_slice %arg2[%select_n3A, %dma_start3A_41, %dma_start3A_42] : memref<26x102400x16xf32, #tpu.memory_space<hbm>> -> memref<1x102400x16xf32, #tpu.memory_space<hbm>>
    %dma_start3A_44 = tpu.memref_squeeze %dma_start3A_43 : memref<1x102400x16xf32, #tpu.memory_space<hbm>> -> memref<102400x16xf32, #tpu.memory_space<hbm>>
    %dma_start3A_45 = arith.constant 0 : i32
    %dma_start3A_46 = arith.constant 0 : i32
    %dma_start3A_47 = tpu.memref_slice %dma_start3A_44[%dma_start3A_45, %dma_start3A_46] : memref<102400x16xf32, #tpu.memory_space<hbm>> -> memref<102400x16xf32, #tpu.memory_space<hbm>>
    tpu.enqueue_indirect_dma source(%dma_start3A_47 : memref<102400x16xf32, #tpu.memory_space<hbm>>) target(%dma_start3A_37 : memref<128x16xf32, #tpu.memory_space<vmem>>) offsets(%dma_start3A_40 : memref<128xi32, #tpu.memory_space<vmem>>) semaphore(%arg8 : memref<!tpu.dma_semaphore, #tpu.memory_space<semaphore_mem>>)
    %dma_start3A_48 = arith.constant 2 : i32
    %dma_start3A_49 = arith.constant 256 : i32
    %dma_start3A_50 = arith.constant 0 : i32
    %dma_start3A_51 = tpu.memref_slice %arg6[%dma_start3A_49, %dma_start3A_50] : memref<512x16xf32, #tpu.memory_space<vmem>> -> memref<128x16xf32, #tpu.memory_space<vmem>>
    %dma_start3A_52 = arith.constant 0 : i32
    %dma_start3A_53 = tpu.memref_slice %arg5[%dma_start3A_48, %dma_start3A_52] : memref<104x128xi32, #tpu.memory_space<vmem>> -> memref<1x128xi32, #tpu.memory_space<vmem>>
    %dma_start3A_54 = tpu.memref_squeeze %dma_start3A_53 : memref<1x128xi32, #tpu.memory_space<vmem>> -> memref<128xi32, #tpu.memory_space<vmem>>
    %dma_start3A_55 = arith.constant 0 : i32
    %dma_start3A_56 = arith.constant 0 : i32
    %dma_start3A_57 = tpu.memref_slice %arg2[%select_n3A, %dma_start3A_55, %dma_start3A_56] : memref<26x102400x16xf32, #tpu.memory_space<hbm>> -> memref<1x102400x16xf32, #tpu.memory_space<hbm>>
    %dma_start3A_58 = tpu.memref_squeeze %dma_start3A_57 : memref<1x102400x16xf32, #tpu.memory_space<hbm>> -> memref<102400x16xf32, #tpu.memory_space<hbm>>
    %dma_start3A_59 = arith.constant 0 : i32
    %dma_start3A_60 = arith.constant 0 : i32
    %dma_start3A_61 = tpu.memref_slice %dma_start3A_58[%dma_start3A_59, %dma_start3A_60] : memref<102400x16xf32, #tpu.memory_space<hbm>> -> memref<102400x16xf32, #tpu.memory_space<hbm>>
    tpu.enqueue_indirect_dma source(%dma_start3A_61 : memref<102400x16xf32, #tpu.memory_space<hbm>>) target(%dma_start3A_51 : memref<128x16xf32, #tpu.memory_space<vmem>>) offsets(%dma_start3A_54 : memref<128xi32, #tpu.memory_space<vmem>>) semaphore(%arg8 : memref<!tpu.dma_semaphore, #tpu.memory_space<semaphore_mem>>)
    %dma_start3A_62 = arith.constant 3 : i32
    %dma_start3A_63 = arith.constant 384 : i32
    %dma_start3A_64 = arith.constant 0 : i32
    %dma_start3A_65 = tpu.memref_slice %arg6[%dma_start3A_63, %dma_start3A_64] : memref<512x16xf32, #tpu.memory_space<vmem>> -> memref<128x16xf32, #tpu.memory_space<vmem>>
    %dma_start3A_66 = arith.constant 0 : i32
    %dma_start3A_67 = tpu.memref_slice %arg5[%dma_start3A_62, %dma_start3A_66] : memref<104x128xi32, #tpu.memory_space<vmem>> -> memref<1x128xi32, #tpu.memory_space<vmem>>
    %dma_start3A_68 = tpu.memref_squeeze %dma_start3A_67 : memref<1x128xi32, #tpu.memory_space<vmem>> -> memref<128xi32, #tpu.memory_space<vmem>>
    %dma_start3A_69 = arith.constant 0 : i32
    %dma_start3A_70 = arith.constant 0 : i32
    %dma_start3A_71 = tpu.memref_slice %arg2[%select_n3A, %dma_start3A_69, %dma_start3A_70] : memref<26x102400x16xf32, #tpu.memory_space<hbm>> -> memref<1x102400x16xf32, #tpu.memory_space<hbm>>
    %dma_start3A_72 = tpu.memref_squeeze %dma_start3A_71 : memref<1x102400x16xf32, #tpu.memory_space<hbm>> -> memref<102400x16xf32, #tpu.memory_space<hbm>>
    %dma_start3A_73 = arith.constant 0 : i32
    %dma_start3A_74 = arith.constant 0 : i32
    %dma_start3A_75 = tpu.memref_slice %dma_start3A_72[%dma_start3A_73, %dma_start3A_74] : memref<102400x16xf32, #tpu.memory_space<hbm>> -> memref<102400x16xf32, #tpu.memory_space<hbm>>
    tpu.enqueue_indirect_dma source(%dma_start3A_75 : memref<102400x16xf32, #tpu.memory_space<hbm>>) target(%dma_start3A_65 : memref<128x16xf32, #tpu.memory_space<vmem>>) offsets(%dma_start3A_68 : memref<128xi32, #tpu.memory_space<vmem>>) semaphore(%arg8 : memref<!tpu.dma_semaphore, #tpu.memory_space<semaphore_mem>>)
    %scan3A = arith.constant 0 : i32
    %scan3A_76 = arith.constant 13 : i32
    %scan3A_77 = arith.addi %scan3A, %scan3A_76 : i32
    %scan3A_78 = arith.constant 1 : i32
    scf.for %scan3A_80 = %scan3A to %scan3A_77 step %scan3A_78  : i32 {
      %mul3A_81 = arith.constant 2 : i32
      %mul3A_82 = arith.muli %mul3A_81, %scan3A_80 : i32
      %add3A_83 = arith.constant 0 : i32
      %add3A_84 = arith.addi %mul3A_82, %add3A_83 : i32
      %add3A_85 = arith.constant 1 : i32
      %add3A_86 = arith.addi %add3A_84, %add3A_85 : i32
      %lt3A = arith.constant 26 : i32
      %lt3A_87 = arith.cmpi slt, %add3A_86, %lt3A : i32
      %convert_element_type3A = arith.extui %lt3A_87 : i1 to i32
      %cond3A = arith.constant 0 : i32
      %cond3A_88 = arith.cmpi ne, %convert_element_type3A, %cond3A : i32
      scf.if %cond3A_88 {
        %add3A_332 = arith.constant 1 : i32
        %add3A_333 = arith.addi %add3A_84, %add3A_332 : i32
        %mul3A_334 = arith.constant 104 : i32
        %mul3A_335 = arith.muli %add3A, %mul3A_334 : i32
        %mul3A_336 = arith.constant 4 : i32
        %mul3A_337 = arith.muli %add3A_333, %mul3A_336 : i32
        %add3A_338 = arith.addi %mul3A_335, %mul3A_337 : i32
        %jit3A_339 = arith.constant 128 : i32
        %div3A_340 = arith.divsi %add3A_338, %jit3A_339 : i32
        %sign3A_341 = arith.constant 0 : i32
        %sign3A_342 = arith.cmpi sgt, %add3A_338, %sign3A_341 : i32
        %sign3A_343 = arith.extui %sign3A_342 : i1 to i32
        %sign3A_344 = arith.constant 0 : i32
        %sign3A_345 = arith.cmpi slt, %add3A_338, %sign3A_344 : i32
        %sign3A_346 = arith.extui %sign3A_345 : i1 to i32
        %sign3A_347 = arith.subi %sign3A_343, %sign3A_346 : i32
        %sign3A_348 = arith.constant 0 : i32
        %sign3A_349 = arith.cmpi sgt, %jit3A_339, %sign3A_348 : i32
        %sign3A_350 = arith.extui %sign3A_349 : i1 to i32
        %sign3A_351 = arith.constant 0 : i32
        %sign3A_352 = arith.cmpi slt, %jit3A_339, %sign3A_351 : i32
        %sign3A_353 = arith.extui %sign3A_352 : i1 to i32
        %sign3A_354 = arith.subi %sign3A_350, %sign3A_353 : i32
        %ne3A_355 = arith.cmpi ne, %sign3A_347, %sign3A_354 : i32
        %rem3A_356 = arith.remsi %add3A_338, %jit3A_339 : i32
        %ne3A_357 = arith.constant 0 : i32
        %ne3A_358 = arith.cmpi ne, %rem3A_356, %ne3A_357 : i32
        %and3A_359 = arith.andi %ne3A_355, %ne3A_358 : i1
        %sub3A_360 = arith.constant 1 : i32
        %sub3A_361 = arith.subi %div3A_340, %sub3A_360 : i32
        %select_n3A_362 = arith.select %and3A_359, %sub3A_361, %div3A_340 : i32
        %mul3A_363 = arith.constant 4 : i32
        %mul3A_364 = arith.muli %add3A_333, %mul3A_363 : i32
        %add3A_365 = arith.constant 0 : i32
        %add3A_366 = arith.addi %mul3A_364, %add3A_365 : i32
        %dma_start3A_367 = arith.constant 0 : i32
        %dma_start3A_368 = arith.constant 0 : i32
        %dma_start3A_369 = tpu.memref_slice %arg7[%dma_start3A_367, %dma_start3A_368] : memref<512x16xf32, #tpu.memory_space<vmem>> -> memref<128x16xf32, #tpu.memory_space<vmem>>
        %dma_start3A_370 = arith.constant 0 : i32
        %dma_start3A_371 = tpu.memref_slice %arg5[%add3A_366, %dma_start3A_370] : memref<104x128xi32, #tpu.memory_space<vmem>> -> memref<1x128xi32, #tpu.memory_space<vmem>>
        %dma_start3A_372 = tpu.memref_squeeze %dma_start3A_371 : memref<1x128xi32, #tpu.memory_space<vmem>> -> memref<128xi32, #tpu.memory_space<vmem>>
        %dma_start3A_373 = arith.constant 0 : i32
        %dma_start3A_374 = arith.constant 0 : i32
        %dma_start3A_375 = tpu.memref_slice %arg2[%select_n3A_362, %dma_start3A_373, %dma_start3A_374] : memref<26x102400x16xf32, #tpu.memory_space<hbm>> -> memref<1x102400x16xf32, #tpu.memory_space<hbm>>
        %dma_start3A_376 = tpu.memref_squeeze %dma_start3A_375 : memref<1x102400x16xf32, #tpu.memory_space<hbm>> -> memref<102400x16xf32, #tpu.memory_space<hbm>>
        %dma_start3A_377 = arith.constant 0 : i32
        %dma_start3A_378 = arith.constant 0 : i32
        %dma_start3A_379 = tpu.memref_slice %dma_start3A_376[%dma_start3A_377, %dma_start3A_378] : memref<102400x16xf32, #tpu.memory_space<hbm>> -> memref<102400x16xf32, #tpu.memory_space<hbm>>
        tpu.enqueue_indirect_dma source(%dma_start3A_379 : memref<102400x16xf32, #tpu.memory_space<hbm>>) target(%dma_start3A_369 : memref<128x16xf32, #tpu.memory_space<vmem>>) offsets(%dma_start3A_372 : memref<128xi32, #tpu.memory_space<vmem>>) semaphore(%arg9 : memref<!tpu.dma_semaphore, #tpu.memory_space<semaphore_mem>>)
        %mul3A_380 = arith.constant 4 : i32
        %mul3A_381 = arith.muli %add3A_333, %mul3A_380 : i32
        %add3A_382 = arith.constant 1 : i32
        %add3A_383 = arith.addi %mul3A_381, %add3A_382 : i32
        %dma_start3A_384 = arith.constant 128 : i32
        %dma_start3A_385 = arith.constant 0 : i32
        %dma_start3A_386 = tpu.memref_slice %arg7[%dma_start3A_384, %dma_start3A_385] : memref<512x16xf32, #tpu.memory_space<vmem>> -> memref<128x16xf32, #tpu.memory_space<vmem>>
        %dma_start3A_387 = arith.constant 0 : i32
        %dma_start3A_388 = tpu.memref_slice %arg5[%add3A_383, %dma_start3A_387] : memref<104x128xi32, #tpu.memory_space<vmem>> -> memref<1x128xi32, #tpu.memory_space<vmem>>
        %dma_start3A_389 = tpu.memref_squeeze %dma_start3A_388 : memref<1x128xi32, #tpu.memory_space<vmem>> -> memref<128xi32, #tpu.memory_space<vmem>>
        %dma_start3A_390 = arith.constant 0 : i32
        %dma_start3A_391 = arith.constant 0 : i32
        %dma_start3A_392 = tpu.memref_slice %arg2[%select_n3A_362, %dma_start3A_390, %dma_start3A_391] : memref<26x102400x16xf32, #tpu.memory_space<hbm>> -> memref<1x102400x16xf32, #tpu.memory_space<hbm>>
        %dma_start3A_393 = tpu.memref_squeeze %dma_start3A_392 : memref<1x102400x16xf32, #tpu.memory_space<hbm>> -> memref<102400x16xf32, #tpu.memory_space<hbm>>
        %dma_start3A_394 = arith.constant 0 : i32
        %dma_start3A_395 = arith.constant 0 : i32
        %dma_start3A_396 = tpu.memref_slice %dma_start3A_393[%dma_start3A_394, %dma_start3A_395] : memref<102400x16xf32, #tpu.memory_space<hbm>> -> memref<102400x16xf32, #tpu.memory_space<hbm>>
        tpu.enqueue_indirect_dma source(%dma_start3A_396 : memref<102400x16xf32, #tpu.memory_space<hbm>>) target(%dma_start3A_386 : memref<128x16xf32, #tpu.memory_space<vmem>>) offsets(%dma_start3A_389 : memref<128xi32, #tpu.memory_space<vmem>>) semaphore(%arg9 : memref<!tpu.dma_semaphore, #tpu.memory_space<semaphore_mem>>)
        %mul3A_397 = arith.constant 4 : i32
        %mul3A_398 = arith.muli %add3A_333, %mul3A_397 : i32
        %add3A_399 = arith.constant 2 : i32
        %add3A_400 = arith.addi %mul3A_398, %add3A_399 : i32
        %dma_start3A_401 = arith.constant 256 : i32
        %dma_start3A_402 = arith.constant 0 : i32
        %dma_start3A_403 = tpu.memref_slice %arg7[%dma_start3A_401, %dma_start3A_402] : memref<512x16xf32, #tpu.memory_space<vmem>> -> memref<128x16xf32, #tpu.memory_space<vmem>>
        %dma_start3A_404 = arith.constant 0 : i32
        %dma_start3A_405 = tpu.memref_slice %arg5[%add3A_400, %dma_start3A_404] : memref<104x128xi32, #tpu.memory_space<vmem>> -> memref<1x128xi32, #tpu.memory_space<vmem>>
        %dma_start3A_406 = tpu.memref_squeeze %dma_start3A_405 : memref<1x128xi32, #tpu.memory_space<vmem>> -> memref<128xi32, #tpu.memory_space<vmem>>
        %dma_start3A_407 = arith.constant 0 : i32
        %dma_start3A_408 = arith.constant 0 : i32
        %dma_start3A_409 = tpu.memref_slice %arg2[%select_n3A_362, %dma_start3A_407, %dma_start3A_408] : memref<26x102400x16xf32, #tpu.memory_space<hbm>> -> memref<1x102400x16xf32, #tpu.memory_space<hbm>>
        %dma_start3A_410 = tpu.memref_squeeze %dma_start3A_409 : memref<1x102400x16xf32, #tpu.memory_space<hbm>> -> memref<102400x16xf32, #tpu.memory_space<hbm>>
        %dma_start3A_411 = arith.constant 0 : i32
        %dma_start3A_412 = arith.constant 0 : i32
        %dma_start3A_413 = tpu.memref_slice %dma_start3A_410[%dma_start3A_411, %dma_start3A_412] : memref<102400x16xf32, #tpu.memory_space<hbm>> -> memref<102400x16xf32, #tpu.memory_space<hbm>>
        tpu.enqueue_indirect_dma source(%dma_start3A_413 : memref<102400x16xf32, #tpu.memory_space<hbm>>) target(%dma_start3A_403 : memref<128x16xf32, #tpu.memory_space<vmem>>) offsets(%dma_start3A_406 : memref<128xi32, #tpu.memory_space<vmem>>) semaphore(%arg9 : memref<!tpu.dma_semaphore, #tpu.memory_space<semaphore_mem>>)
        %mul3A_414 = arith.constant 4 : i32
        %mul3A_415 = arith.muli %add3A_333, %mul3A_414 : i32
        %add3A_416 = arith.constant 3 : i32
        %add3A_417 = arith.addi %mul3A_415, %add3A_416 : i32
        %dma_start3A_418 = arith.constant 384 : i32
        %dma_start3A_419 = arith.constant 0 : i32
        %dma_start3A_420 = tpu.memref_slice %arg7[%dma_start3A_418, %dma_start3A_419] : memref<512x16xf32, #tpu.memory_space<vmem>> -> memref<128x16xf32, #tpu.memory_space<vmem>>
        %dma_start3A_421 = arith.constant 0 : i32
        %dma_start3A_422 = tpu.memref_slice %arg5[%add3A_417, %dma_start3A_421] : memref<104x128xi32, #tpu.memory_space<vmem>> -> memref<1x128xi32, #tpu.memory_space<vmem>>
        %dma_start3A_423 = tpu.memref_squeeze %dma_start3A_422 : memref<1x128xi32, #tpu.memory_space<vmem>> -> memref<128xi32, #tpu.memory_space<vmem>>
        %dma_start3A_424 = arith.constant 0 : i32
        %dma_start3A_425 = arith.constant 0 : i32
        %dma_start3A_426 = tpu.memref_slice %arg2[%select_n3A_362, %dma_start3A_424, %dma_start3A_425] : memref<26x102400x16xf32, #tpu.memory_space<hbm>> -> memref<1x102400x16xf32, #tpu.memory_space<hbm>>
        %dma_start3A_427 = tpu.memref_squeeze %dma_start3A_426 : memref<1x102400x16xf32, #tpu.memory_space<hbm>> -> memref<102400x16xf32, #tpu.memory_space<hbm>>
        %dma_start3A_428 = arith.constant 0 : i32
        %dma_start3A_429 = arith.constant 0 : i32
        %dma_start3A_430 = tpu.memref_slice %dma_start3A_427[%dma_start3A_428, %dma_start3A_429] : memref<102400x16xf32, #tpu.memory_space<hbm>> -> memref<102400x16xf32, #tpu.memory_space<hbm>>
        tpu.enqueue_indirect_dma source(%dma_start3A_430 : memref<102400x16xf32, #tpu.memory_space<hbm>>) target(%dma_start3A_420 : memref<128x16xf32, #tpu.memory_space<vmem>>) offsets(%dma_start3A_423 : memref<128xi32, #tpu.memory_space<vmem>>) semaphore(%arg9 : memref<!tpu.dma_semaphore, #tpu.memory_space<semaphore_mem>>)
      } else {
      }
      %mul3A_89 = arith.constant 104 : i32
      %mul3A_90 = arith.muli %add3A, %mul3A_89 : i32
      %mul3A_91 = arith.constant 4 : i32
      %mul3A_92 = arith.muli %add3A_84, %mul3A_91 : i32
      %add3A_93 = arith.addi %mul3A_90, %mul3A_92 : i32
      %jit3A_94 = arith.constant 128 : i32
      %div3A_95 = arith.divsi %add3A_93, %jit3A_94 : i32
      %sign3A_96 = arith.constant 0 : i32
      %sign3A_97 = arith.cmpi sgt, %add3A_93, %sign3A_96 : i32
      %sign3A_98 = arith.extui %sign3A_97 : i1 to i32
      %sign3A_99 = arith.constant 0 : i32
      %sign3A_100 = arith.cmpi slt, %add3A_93, %sign3A_99 : i32
      %sign3A_101 = arith.extui %sign3A_100 : i1 to i32
      %sign3A_102 = arith.subi %sign3A_98, %sign3A_101 : i32
      %sign3A_103 = arith.constant 0 : i32
      %sign3A_104 = arith.cmpi sgt, %jit3A_94, %sign3A_103 : i32
      %sign3A_105 = arith.extui %sign3A_104 : i1 to i32
      %sign3A_106 = arith.constant 0 : i32
      %sign3A_107 = arith.cmpi slt, %jit3A_94, %sign3A_106 : i32
      %sign3A_108 = arith.extui %sign3A_107 : i1 to i32
      %sign3A_109 = arith.subi %sign3A_105, %sign3A_108 : i32
      %ne3A_110 = arith.cmpi ne, %sign3A_102, %sign3A_109 : i32
      %rem3A_111 = arith.remsi %add3A_93, %jit3A_94 : i32
      %ne3A_112 = arith.constant 0 : i32
      %ne3A_113 = arith.cmpi ne, %rem3A_111, %ne3A_112 : i32
      %and3A_114 = arith.andi %ne3A_110, %ne3A_113 : i1
      %sub3A_115 = arith.constant 1 : i32
      %sub3A_116 = arith.subi %div3A_95, %sub3A_115 : i32
      %select_n3A_117 = arith.select %and3A_114, %sub3A_116, %div3A_95 : i32
      %jit3A_118 = arith.constant 128 : i32
      %eq3A = arith.constant 0 : i32
      %eq3A_119 = arith.cmpi eq, %jit3A_118, %eq3A : i32
      %jit3A_120 = arith.constant 1 : i32
      %select_n3A_121 = arith.select %eq3A_119, %jit3A_120, %jit3A_118 : i32
      %rem3A_122 = arith.remsi %add3A_93, %select_n3A_121 : i32
      %ne3A_123 = arith.constant 0 : i32
      %ne3A_124 = arith.cmpi ne, %rem3A_122, %ne3A_123 : i32
      %lt3A_125 = arith.constant 0 : i32
      %lt3A_126 = arith.cmpi slt, %rem3A_122, %lt3A_125 : i32
      %lt3A_127 = arith.constant 0 : i32
      %lt3A_128 = arith.cmpi slt, %select_n3A_121, %lt3A_127 : i32
      %ne3A_129 = arith.xori %lt3A_126, %lt3A_128 : i1
      %and3A_130 = arith.andi %ne3A_129, %ne3A_124 : i1
      %add3A_131 = arith.addi %rem3A_122, %select_n3A_121 : i32
      %select_n3A_132 = arith.select %and3A_130, %add3A_131, %rem3A_122 : i32
      %mul3A_133 = arith.constant 128 : i32
      %mul3A_134 = arith.muli %select_n3A_132, %mul3A_133 : i32
      %mul3A_135 = arith.constant 4 : i32
      %mul3A_136 = arith.muli %add3A_84, %mul3A_135 : i32
      %add3A_137 = arith.constant 0 : i32
      %add3A_138 = arith.addi %mul3A_136, %add3A_137 : i32
      %dma_wait3A = arith.constant 0 : i32
      %dma_wait3A_139 = arith.constant 0 : i32
      %dma_wait3A_140 = tpu.memref_slice %arg6[%dma_wait3A, %dma_wait3A_139] : memref<512x16xf32, #tpu.memory_space<vmem>> -> memref<128x16xf32, #tpu.memory_space<vmem>>
      %dma_wait3A_141 = arith.constant 0 : i32
      %dma_wait3A_142 = tpu.memref_slice %arg5[%add3A_138, %dma_wait3A_141] : memref<104x128xi32, #tpu.memory_space<vmem>> -> memref<1x128xi32, #tpu.memory_space<vmem>>
      %dma_wait3A_143 = tpu.memref_squeeze %dma_wait3A_142 : memref<1x128xi32, #tpu.memory_space<vmem>> -> memref<128xi32, #tpu.memory_space<vmem>>
      %dma_wait3A_144 = arith.constant 0 : i32
      %dma_wait3A_145 = arith.constant 0 : i32
      %dma_wait3A_146 = tpu.memref_slice %arg2[%select_n3A_117, %dma_wait3A_144, %dma_wait3A_145] : memref<26x102400x16xf32, #tpu.memory_space<hbm>> -> memref<1x102400x16xf32, #tpu.memory_space<hbm>>
      %dma_wait3A_147 = tpu.memref_squeeze %dma_wait3A_146 : memref<1x102400x16xf32, #tpu.memory_space<hbm>> -> memref<102400x16xf32, #tpu.memory_space<hbm>>
      %dma_wait3A_148 = arith.constant 0 : i32
      %dma_wait3A_149 = arith.constant 0 : i32
      %dma_wait3A_150 = tpu.memref_slice %dma_wait3A_147[%dma_wait3A_148, %dma_wait3A_149] : memref<102400x16xf32, #tpu.memory_space<hbm>> -> memref<102400x16xf32, #tpu.memory_space<hbm>>
      tpu.wait_indirect_dma semaphore(%arg8 : memref<!tpu.dma_semaphore, #tpu.memory_space<semaphore_mem>>) src(%dma_wait3A_150 : memref<102400x16xf32, #tpu.memory_space<hbm>>) dst(%dma_wait3A_140 : memref<128x16xf32, #tpu.memory_space<vmem>>)
      %mul3A_151 = arith.constant 4 : i32
      %mul3A_152 = arith.muli %add3A_84, %mul3A_151 : i32
      %add3A_153 = arith.constant 1 : i32
      %add3A_154 = arith.addi %mul3A_152, %add3A_153 : i32
      %dma_wait3A_155 = arith.constant 128 : i32
      %dma_wait3A_156 = arith.constant 0 : i32
      %dma_wait3A_157 = tpu.memref_slice %arg6[%dma_wait3A_155, %dma_wait3A_156] : memref<512x16xf32, #tpu.memory_space<vmem>> -> memref<128x16xf32, #tpu.memory_space<vmem>>
      %dma_wait3A_158 = arith.constant 0 : i32
      %dma_wait3A_159 = tpu.memref_slice %arg5[%add3A_154, %dma_wait3A_158] : memref<104x128xi32, #tpu.memory_space<vmem>> -> memref<1x128xi32, #tpu.memory_space<vmem>>
      %dma_wait3A_160 = tpu.memref_squeeze %dma_wait3A_159 : memref<1x128xi32, #tpu.memory_space<vmem>> -> memref<128xi32, #tpu.memory_space<vmem>>
      %dma_wait3A_161 = arith.constant 0 : i32
      %dma_wait3A_162 = arith.constant 0 : i32
      %dma_wait3A_163 = tpu.memref_slice %arg2[%select_n3A_117, %dma_wait3A_161, %dma_wait3A_162] : memref<26x102400x16xf32, #tpu.memory_space<hbm>> -> memref<1x102400x16xf32, #tpu.memory_space<hbm>>
      %dma_wait3A_164 = tpu.memref_squeeze %dma_wait3A_163 : memref<1x102400x16xf32, #tpu.memory_space<hbm>> -> memref<102400x16xf32, #tpu.memory_space<hbm>>
      %dma_wait3A_165 = arith.constant 0 : i32
      %dma_wait3A_166 = arith.constant 0 : i32
      %dma_wait3A_167 = tpu.memref_slice %dma_wait3A_164[%dma_wait3A_165, %dma_wait3A_166] : memref<102400x16xf32, #tpu.memory_space<hbm>> -> memref<102400x16xf32, #tpu.memory_space<hbm>>
      tpu.wait_indirect_dma semaphore(%arg8 : memref<!tpu.dma_semaphore, #tpu.memory_space<semaphore_mem>>) src(%dma_wait3A_167 : memref<102400x16xf32, #tpu.memory_space<hbm>>) dst(%dma_wait3A_157 : memref<128x16xf32, #tpu.memory_space<vmem>>)
      %mul3A_168 = arith.constant 4 : i32
      %mul3A_169 = arith.muli %add3A_84, %mul3A_168 : i32
      %add3A_170 = arith.constant 2 : i32
      %add3A_171 = arith.addi %mul3A_169, %add3A_170 : i32
      %dma_wait3A_172 = arith.constant 256 : i32
      %dma_wait3A_173 = arith.constant 0 : i32
      %dma_wait3A_174 = tpu.memref_slice %arg6[%dma_wait3A_172, %dma_wait3A_173] : memref<512x16xf32, #tpu.memory_space<vmem>> -> memref<128x16xf32, #tpu.memory_space<vmem>>
      %dma_wait3A_175 = arith.constant 0 : i32
      %dma_wait3A_176 = tpu.memref_slice %arg5[%add3A_171, %dma_wait3A_175] : memref<104x128xi32, #tpu.memory_space<vmem>> -> memref<1x128xi32, #tpu.memory_space<vmem>>
      %dma_wait3A_177 = tpu.memref_squeeze %dma_wait3A_176 : memref<1x128xi32, #tpu.memory_space<vmem>> -> memref<128xi32, #tpu.memory_space<vmem>>
      %dma_wait3A_178 = arith.constant 0 : i32
      %dma_wait3A_179 = arith.constant 0 : i32
      %dma_wait3A_180 = tpu.memref_slice %arg2[%select_n3A_117, %dma_wait3A_178, %dma_wait3A_179] : memref<26x102400x16xf32, #tpu.memory_space<hbm>> -> memref<1x102400x16xf32, #tpu.memory_space<hbm>>
      %dma_wait3A_181 = tpu.memref_squeeze %dma_wait3A_180 : memref<1x102400x16xf32, #tpu.memory_space<hbm>> -> memref<102400x16xf32, #tpu.memory_space<hbm>>
      %dma_wait3A_182 = arith.constant 0 : i32
      %dma_wait3A_183 = arith.constant 0 : i32
      %dma_wait3A_184 = tpu.memref_slice %dma_wait3A_181[%dma_wait3A_182, %dma_wait3A_183] : memref<102400x16xf32, #tpu.memory_space<hbm>> -> memref<102400x16xf32, #tpu.memory_space<hbm>>
      tpu.wait_indirect_dma semaphore(%arg8 : memref<!tpu.dma_semaphore, #tpu.memory_space<semaphore_mem>>) src(%dma_wait3A_184 : memref<102400x16xf32, #tpu.memory_space<hbm>>) dst(%dma_wait3A_174 : memref<128x16xf32, #tpu.memory_space<vmem>>)
      %mul3A_185 = arith.constant 4 : i32
      %mul3A_186 = arith.muli %add3A_84, %mul3A_185 : i32
      %add3A_187 = arith.constant 3 : i32
      %add3A_188 = arith.addi %mul3A_186, %add3A_187 : i32
      %dma_wait3A_189 = arith.constant 384 : i32
      %dma_wait3A_190 = arith.constant 0 : i32
      %dma_wait3A_191 = tpu.memref_slice %arg6[%dma_wait3A_189, %dma_wait3A_190] : memref<512x16xf32, #tpu.memory_space<vmem>> -> memref<128x16xf32, #tpu.memory_space<vmem>>
      %dma_wait3A_192 = arith.constant 0 : i32
      %dma_wait3A_193 = tpu.memref_slice %arg5[%add3A_188, %dma_wait3A_192] : memref<104x128xi32, #tpu.memory_space<vmem>> -> memref<1x128xi32, #tpu.memory_space<vmem>>
      %dma_wait3A_194 = tpu.memref_squeeze %dma_wait3A_193 : memref<1x128xi32, #tpu.memory_space<vmem>> -> memref<128xi32, #tpu.memory_space<vmem>>
      %dma_wait3A_195 = arith.constant 0 : i32
      %dma_wait3A_196 = arith.constant 0 : i32
      %dma_wait3A_197 = tpu.memref_slice %arg2[%select_n3A_117, %dma_wait3A_195, %dma_wait3A_196] : memref<26x102400x16xf32, #tpu.memory_space<hbm>> -> memref<1x102400x16xf32, #tpu.memory_space<hbm>>
      %dma_wait3A_198 = tpu.memref_squeeze %dma_wait3A_197 : memref<1x102400x16xf32, #tpu.memory_space<hbm>> -> memref<102400x16xf32, #tpu.memory_space<hbm>>
      %dma_wait3A_199 = arith.constant 0 : i32
      %dma_wait3A_200 = arith.constant 0 : i32
      %dma_wait3A_201 = tpu.memref_slice %dma_wait3A_198[%dma_wait3A_199, %dma_wait3A_200] : memref<102400x16xf32, #tpu.memory_space<hbm>> -> memref<102400x16xf32, #tpu.memory_space<hbm>>
      tpu.wait_indirect_dma semaphore(%arg8 : memref<!tpu.dma_semaphore, #tpu.memory_space<semaphore_mem>>) src(%dma_wait3A_201 : memref<102400x16xf32, #tpu.memory_space<hbm>>) dst(%dma_wait3A_191 : memref<128x16xf32, #tpu.memory_space<vmem>>)
      %mul3A_202 = arith.constant 16 : i32
      %mul3A_203 = arith.muli %select_n3A_117, %mul3A_202 : i32
      "tpu.region"() ({
        %run_scoped3A = tpu.sem_alloc : memref<!tpu.dma_semaphore, #tpu.memory_space<semaphore_mem>>
        %dma_start3A_332 = tpu.memref_slice %arg4[%mul3A_134, %mul3A_203] : memref<16384x416xf32, #tpu.memory_space<hbm>> -> memref<512x16xf32, #tpu.memory_space<hbm>>
        %dma_start3A_333 = tpu.memref_slice %arg4[%mul3A_134, %mul3A_203] : memref<16384x416xf32, #tpu.memory_space<hbm>> -> memref<512x16xf32, #tpu.memory_space<hbm>>
        tpu.enqueue_dma source(%arg6 : memref<512x16xf32, #tpu.memory_space<vmem>>) target(%dma_start3A_333 : memref<512x16xf32, #tpu.memory_space<hbm>>) target_semaphore(%run_scoped3A : memref<!tpu.dma_semaphore, #tpu.memory_space<semaphore_mem>>)
        %dma_wait3A_334 = tpu.memref_slice %arg4[%mul3A_134, %mul3A_203] : memref<16384x416xf32, #tpu.memory_space<hbm>> -> memref<512x16xf32, #tpu.memory_space<hbm>>
        %dma_wait3A_335 = tpu.memref_slice %arg4[%mul3A_134, %mul3A_203] : memref<16384x416xf32, #tpu.memory_space<hbm>> -> memref<512x16xf32, #tpu.memory_space<hbm>>
        tpu.wait_dma2 semaphore(%run_scoped3A : memref<!tpu.dma_semaphore, #tpu.memory_space<semaphore_mem>>) src(%arg6 : memref<512x16xf32, #tpu.memory_space<vmem>>) dst(%dma_wait3A_335 : memref<512x16xf32, #tpu.memory_space<hbm>>)
        tpu.yield
      }) : () -> ()
      %mul3A_204 = arith.constant 2 : i32
      %mul3A_205 = arith.muli %mul3A_204, %scan3A_80 : i32
      %add3A_206 = arith.constant 1 : i32
      %add3A_207 = arith.addi %mul3A_205, %add3A_206 : i32
      %add3A_208 = arith.constant 1 : i32
      %add3A_209 = arith.addi %add3A_207, %add3A_208 : i32
      %lt3A_210 = arith.constant 26 : i32
      %lt3A_211 = arith.cmpi slt, %add3A_209, %lt3A_210 : i32
      %convert_element_type3A_212 = arith.extui %lt3A_211 : i1 to i32
      %cond3A_213 = arith.constant 0 : i32
      %cond3A_214 = arith.cmpi ne, %convert_element_type3A_212, %cond3A_213 : i32
      scf.if %cond3A_214 {
        %add3A_332 = arith.constant 1 : i32
        %add3A_333 = arith.addi %add3A_207, %add3A_332 : i32
        %mul3A_334 = arith.constant 104 : i32
        %mul3A_335 = arith.muli %add3A, %mul3A_334 : i32
        %mul3A_336 = arith.constant 4 : i32
        %mul3A_337 = arith.muli %add3A_333, %mul3A_336 : i32
        %add3A_338 = arith.addi %mul3A_335, %mul3A_337 : i32
        %jit3A_339 = arith.constant 128 : i32
        %div3A_340 = arith.divsi %add3A_338, %jit3A_339 : i32
        %sign3A_341 = arith.constant 0 : i32
        %sign3A_342 = arith.cmpi sgt, %add3A_338, %sign3A_341 : i32
        %sign3A_343 = arith.extui %sign3A_342 : i1 to i32
        %sign3A_344 = arith.constant 0 : i32
        %sign3A_345 = arith.cmpi slt, %add3A_338, %sign3A_344 : i32
        %sign3A_346 = arith.extui %sign3A_345 : i1 to i32
        %sign3A_347 = arith.subi %sign3A_343, %sign3A_346 : i32
        %sign3A_348 = arith.constant 0 : i32
        %sign3A_349 = arith.cmpi sgt, %jit3A_339, %sign3A_348 : i32
        %sign3A_350 = arith.extui %sign3A_349 : i1 to i32
        %sign3A_351 = arith.constant 0 : i32
        %sign3A_352 = arith.cmpi slt, %jit3A_339, %sign3A_351 : i32
        %sign3A_353 = arith.extui %sign3A_352 : i1 to i32
        %sign3A_354 = arith.subi %sign3A_350, %sign3A_353 : i32
        %ne3A_355 = arith.cmpi ne, %sign3A_347, %sign3A_354 : i32
        %rem3A_356 = arith.remsi %add3A_338, %jit3A_339 : i32
        %ne3A_357 = arith.constant 0 : i32
        %ne3A_358 = arith.cmpi ne, %rem3A_356, %ne3A_357 : i32
        %and3A_359 = arith.andi %ne3A_355, %ne3A_358 : i1
        %sub3A_360 = arith.constant 1 : i32
        %sub3A_361 = arith.subi %div3A_340, %sub3A_360 : i32
        %select_n3A_362 = arith.select %and3A_359, %sub3A_361, %div3A_340 : i32
        %mul3A_363 = arith.constant 4 : i32
        %mul3A_364 = arith.muli %add3A_333, %mul3A_363 : i32
        %add3A_365 = arith.constant 0 : i32
        %add3A_366 = arith.addi %mul3A_364, %add3A_365 : i32
        %dma_start3A_367 = arith.constant 0 : i32
        %dma_start3A_368 = arith.constant 0 : i32
        %dma_start3A_369 = tpu.memref_slice %arg6[%dma_start3A_367, %dma_start3A_368] : memref<512x16xf32, #tpu.memory_space<vmem>> -> memref<128x16xf32, #tpu.memory_space<vmem>>
        %dma_start3A_370 = arith.constant 0 : i32
        %dma_start3A_371 = tpu.memref_slice %arg5[%add3A_366, %dma_start3A_370] : memref<104x128xi32, #tpu.memory_space<vmem>> -> memref<1x128xi32, #tpu.memory_space<vmem>>
        %dma_start3A_372 = tpu.memref_squeeze %dma_start3A_371 : memref<1x128xi32, #tpu.memory_space<vmem>> -> memref<128xi32, #tpu.memory_space<vmem>>
        %dma_start3A_373 = arith.constant 0 : i32
        %dma_start3A_374 = arith.constant 0 : i32
        %dma_start3A_375 = tpu.memref_slice %arg2[%select_n3A_362, %dma_start3A_373, %dma_start3A_374] : memref<26x102400x16xf32, #tpu.memory_space<hbm>> -> memref<1x102400x16xf32, #tpu.memory_space<hbm>>
        %dma_start3A_376 = tpu.memref_squeeze %dma_start3A_375 : memref<1x102400x16xf32, #tpu.memory_space<hbm>> -> memref<102400x16xf32, #tpu.memory_space<hbm>>
        %dma_start3A_377 = arith.constant 0 : i32
        %dma_start3A_378 = arith.constant 0 : i32
        %dma_start3A_379 = tpu.memref_slice %dma_start3A_376[%dma_start3A_377, %dma_start3A_378] : memref<102400x16xf32, #tpu.memory_space<hbm>> -> memref<102400x16xf32, #tpu.memory_space<hbm>>
        tpu.enqueue_indirect_dma source(%dma_start3A_379 : memref<102400x16xf32, #tpu.memory_space<hbm>>) target(%dma_start3A_369 : memref<128x16xf32, #tpu.memory_space<vmem>>) offsets(%dma_start3A_372 : memref<128xi32, #tpu.memory_space<vmem>>) semaphore(%arg8 : memref<!tpu.dma_semaphore, #tpu.memory_space<semaphore_mem>>)
        %mul3A_380 = arith.constant 4 : i32
        %mul3A_381 = arith.muli %add3A_333, %mul3A_380 : i32
        %add3A_382 = arith.constant 1 : i32
        %add3A_383 = arith.addi %mul3A_381, %add3A_382 : i32
        %dma_start3A_384 = arith.constant 128 : i32
        %dma_start3A_385 = arith.constant 0 : i32
        %dma_start3A_386 = tpu.memref_slice %arg6[%dma_start3A_384, %dma_start3A_385] : memref<512x16xf32, #tpu.memory_space<vmem>> -> memref<128x16xf32, #tpu.memory_space<vmem>>
        %dma_start3A_387 = arith.constant 0 : i32
        %dma_start3A_388 = tpu.memref_slice %arg5[%add3A_383, %dma_start3A_387] : memref<104x128xi32, #tpu.memory_space<vmem>> -> memref<1x128xi32, #tpu.memory_space<vmem>>
        %dma_start3A_389 = tpu.memref_squeeze %dma_start3A_388 : memref<1x128xi32, #tpu.memory_space<vmem>> -> memref<128xi32, #tpu.memory_space<vmem>>
        %dma_start3A_390 = arith.constant 0 : i32
        %dma_start3A_391 = arith.constant 0 : i32
        %dma_start3A_392 = tpu.memref_slice %arg2[%select_n3A_362, %dma_start3A_390, %dma_start3A_391] : memref<26x102400x16xf32, #tpu.memory_space<hbm>> -> memref<1x102400x16xf32, #tpu.memory_space<hbm>>
        %dma_start3A_393 = tpu.memref_squeeze %dma_start3A_392 : memref<1x102400x16xf32, #tpu.memory_space<hbm>> -> memref<102400x16xf32, #tpu.memory_space<hbm>>
        %dma_start3A_394 = arith.constant 0 : i32
        %dma_start3A_395 = arith.constant 0 : i32
        %dma_start3A_396 = tpu.memref_slice %dma_start3A_393[%dma_start3A_394, %dma_start3A_395] : memref<102400x16xf32, #tpu.memory_space<hbm>> -> memref<102400x16xf32, #tpu.memory_space<hbm>>
        tpu.enqueue_indirect_dma source(%dma_start3A_396 : memref<102400x16xf32, #tpu.memory_space<hbm>>) target(%dma_start3A_386 : memref<128x16xf32, #tpu.memory_space<vmem>>) offsets(%dma_start3A_389 : memref<128xi32, #tpu.memory_space<vmem>>) semaphore(%arg8 : memref<!tpu.dma_semaphore, #tpu.memory_space<semaphore_mem>>)
        %mul3A_397 = arith.constant 4 : i32
        %mul3A_398 = arith.muli %add3A_333, %mul3A_397 : i32
        %add3A_399 = arith.constant 2 : i32
        %add3A_400 = arith.addi %mul3A_398, %add3A_399 : i32
        %dma_start3A_401 = arith.constant 256 : i32
        %dma_start3A_402 = arith.constant 0 : i32
        %dma_start3A_403 = tpu.memref_slice %arg6[%dma_start3A_401, %dma_start3A_402] : memref<512x16xf32, #tpu.memory_space<vmem>> -> memref<128x16xf32, #tpu.memory_space<vmem>>
        %dma_start3A_404 = arith.constant 0 : i32
        %dma_start3A_405 = tpu.memref_slice %arg5[%add3A_400, %dma_start3A_404] : memref<104x128xi32, #tpu.memory_space<vmem>> -> memref<1x128xi32, #tpu.memory_space<vmem>>
        %dma_start3A_406 = tpu.memref_squeeze %dma_start3A_405 : memref<1x128xi32, #tpu.memory_space<vmem>> -> memref<128xi32, #tpu.memory_space<vmem>>
        %dma_start3A_407 = arith.constant 0 : i32
        %dma_start3A_408 = arith.constant 0 : i32
        %dma_start3A_409 = tpu.memref_slice %arg2[%select_n3A_362, %dma_start3A_407, %dma_start3A_408] : memref<26x102400x16xf32, #tpu.memory_space<hbm>> -> memref<1x102400x16xf32, #tpu.memory_space<hbm>>
        %dma_start3A_410 = tpu.memref_squeeze %dma_start3A_409 : memref<1x102400x16xf32, #tpu.memory_space<hbm>> -> memref<102400x16xf32, #tpu.memory_space<hbm>>
        %dma_start3A_411 = arith.constant 0 : i32
        %dma_start3A_412 = arith.constant 0 : i32
        %dma_start3A_413 = tpu.memref_slice %dma_start3A_410[%dma_start3A_411, %dma_start3A_412] : memref<102400x16xf32, #tpu.memory_space<hbm>> -> memref<102400x16xf32, #tpu.memory_space<hbm>>
        tpu.enqueue_indirect_dma source(%dma_start3A_413 : memref<102400x16xf32, #tpu.memory_space<hbm>>) target(%dma_start3A_403 : memref<128x16xf32, #tpu.memory_space<vmem>>) offsets(%dma_start3A_406 : memref<128xi32, #tpu.memory_space<vmem>>) semaphore(%arg8 : memref<!tpu.dma_semaphore, #tpu.memory_space<semaphore_mem>>)
        %mul3A_414 = arith.constant 4 : i32
        %mul3A_415 = arith.muli %add3A_333, %mul3A_414 : i32
        %add3A_416 = arith.constant 3 : i32
        %add3A_417 = arith.addi %mul3A_415, %add3A_416 : i32
        %dma_start3A_418 = arith.constant 384 : i32
        %dma_start3A_419 = arith.constant 0 : i32
        %dma_start3A_420 = tpu.memref_slice %arg6[%dma_start3A_418, %dma_start3A_419] : memref<512x16xf32, #tpu.memory_space<vmem>> -> memref<128x16xf32, #tpu.memory_space<vmem>>
        %dma_start3A_421 = arith.constant 0 : i32
        %dma_start3A_422 = tpu.memref_slice %arg5[%add3A_417, %dma_start3A_421] : memref<104x128xi32, #tpu.memory_space<vmem>> -> memref<1x128xi32, #tpu.memory_space<vmem>>
        %dma_start3A_423 = tpu.memref_squeeze %dma_start3A_422 : memref<1x128xi32, #tpu.memory_space<vmem>> -> memref<128xi32, #tpu.memory_space<vmem>>
        %dma_start3A_424 = arith.constant 0 : i32
        %dma_start3A_425 = arith.constant 0 : i32
        %dma_start3A_426 = tpu.memref_slice %arg2[%select_n3A_362, %dma_start3A_424, %dma_start3A_425] : memref<26x102400x16xf32, #tpu.memory_space<hbm>> -> memref<1x102400x16xf32, #tpu.memory_space<hbm>>
        %dma_start3A_427 = tpu.memref_squeeze %dma_start3A_426 : memref<1x102400x16xf32, #tpu.memory_space<hbm>> -> memref<102400x16xf32, #tpu.memory_space<hbm>>
        %dma_start3A_428 = arith.constant 0 : i32
        %dma_start3A_429 = arith.constant 0 : i32
        %dma_start3A_430 = tpu.memref_slice %dma_start3A_427[%dma_start3A_428, %dma_start3A_429] : memref<102400x16xf32, #tpu.memory_space<hbm>> -> memref<102400x16xf32, #tpu.memory_space<hbm>>
        tpu.enqueue_indirect_dma source(%dma_start3A_430 : memref<102400x16xf32, #tpu.memory_space<hbm>>) target(%dma_start3A_420 : memref<128x16xf32, #tpu.memory_space<vmem>>) offsets(%dma_start3A_423 : memref<128xi32, #tpu.memory_space<vmem>>) semaphore(%arg8 : memref<!tpu.dma_semaphore, #tpu.memory_space<semaphore_mem>>)
      } else {
      }
      %mul3A_215 = arith.constant 104 : i32
      %mul3A_216 = arith.muli %add3A, %mul3A_215 : i32
      %mul3A_217 = arith.constant 4 : i32
      %mul3A_218 = arith.muli %add3A_207, %mul3A_217 : i32
      %add3A_219 = arith.addi %mul3A_216, %mul3A_218 : i32
      %jit3A_220 = arith.constant 128 : i32
      %div3A_221 = arith.divsi %add3A_219, %jit3A_220 : i32
      %sign3A_222 = arith.constant 0 : i32
      %sign3A_223 = arith.cmpi sgt, %add3A_219, %sign3A_222 : i32
      %sign3A_224 = arith.extui %sign3A_223 : i1 to i32
      %sign3A_225 = arith.constant 0 : i32
      %sign3A_226 = arith.cmpi slt, %add3A_219, %sign3A_225 : i32
      %sign3A_227 = arith.extui %sign3A_226 : i1 to i32
      %sign3A_228 = arith.subi %sign3A_224, %sign3A_227 : i32
      %sign3A_229 = arith.constant 0 : i32
      %sign3A_230 = arith.cmpi sgt, %jit3A_220, %sign3A_229 : i32
      %sign3A_231 = arith.extui %sign3A_230 : i1 to i32
      %sign3A_232 = arith.constant 0 : i32
      %sign3A_233 = arith.cmpi slt, %jit3A_220, %sign3A_232 : i32
      %sign3A_234 = arith.extui %sign3A_233 : i1 to i32
      %sign3A_235 = arith.subi %sign3A_231, %sign3A_234 : i32
      %ne3A_236 = arith.cmpi ne, %sign3A_228, %sign3A_235 : i32
      %rem3A_237 = arith.remsi %add3A_219, %jit3A_220 : i32
      %ne3A_238 = arith.constant 0 : i32
      %ne3A_239 = arith.cmpi ne, %rem3A_237, %ne3A_238 : i32
      %and3A_240 = arith.andi %ne3A_236, %ne3A_239 : i1
      %sub3A_241 = arith.constant 1 : i32
      %sub3A_242 = arith.subi %div3A_221, %sub3A_241 : i32
      %select_n3A_243 = arith.select %and3A_240, %sub3A_242, %div3A_221 : i32
      %jit3A_244 = arith.constant 128 : i32
      %eq3A_245 = arith.constant 0 : i32
      %eq3A_246 = arith.cmpi eq, %jit3A_244, %eq3A_245 : i32
      %jit3A_247 = arith.constant 1 : i32
      %select_n3A_248 = arith.select %eq3A_246, %jit3A_247, %jit3A_244 : i32
      %rem3A_249 = arith.remsi %add3A_219, %select_n3A_248 : i32
      %ne3A_250 = arith.constant 0 : i32
      %ne3A_251 = arith.cmpi ne, %rem3A_249, %ne3A_250 : i32
      %lt3A_252 = arith.constant 0 : i32
      %lt3A_253 = arith.cmpi slt, %rem3A_249, %lt3A_252 : i32
      %lt3A_254 = arith.constant 0 : i32
      %lt3A_255 = arith.cmpi slt, %select_n3A_248, %lt3A_254 : i32
      %ne3A_256 = arith.xori %lt3A_253, %lt3A_255 : i1
      %and3A_257 = arith.andi %ne3A_256, %ne3A_251 : i1
      %add3A_258 = arith.addi %rem3A_249, %select_n3A_248 : i32
      %select_n3A_259 = arith.select %and3A_257, %add3A_258, %rem3A_249 : i32
      %mul3A_260 = arith.constant 128 : i32
      %mul3A_261 = arith.muli %select_n3A_259, %mul3A_260 : i32
      %mul3A_262 = arith.constant 4 : i32
      %mul3A_263 = arith.muli %add3A_207, %mul3A_262 : i32
      %add3A_264 = arith.constant 0 : i32
      %add3A_265 = arith.addi %mul3A_263, %add3A_264 : i32
      %dma_wait3A_266 = arith.constant 0 : i32
      %dma_wait3A_267 = arith.constant 0 : i32
      %dma_wait3A_268 = tpu.memref_slice %arg7[%dma_wait3A_266, %dma_wait3A_267] : memref<512x16xf32, #tpu.memory_space<vmem>> -> memref<128x16xf32, #tpu.memory_space<vmem>>
      %dma_wait3A_269 = arith.constant 0 : i32
      %dma_wait3A_270 = tpu.memref_slice %arg5[%add3A_265, %dma_wait3A_269] : memref<104x128xi32, #tpu.memory_space<vmem>> -> memref<1x128xi32, #tpu.memory_space<vmem>>
      %dma_wait3A_271 = tpu.memref_squeeze %dma_wait3A_270 : memref<1x128xi32, #tpu.memory_space<vmem>> -> memref<128xi32, #tpu.memory_space<vmem>>
      %dma_wait3A_272 = arith.constant 0 : i32
      %dma_wait3A_273 = arith.constant 0 : i32
      %dma_wait3A_274 = tpu.memref_slice %arg2[%select_n3A_243, %dma_wait3A_272, %dma_wait3A_273] : memref<26x102400x16xf32, #tpu.memory_space<hbm>> -> memref<1x102400x16xf32, #tpu.memory_space<hbm>>
      %dma_wait3A_275 = tpu.memref_squeeze %dma_wait3A_274 : memref<1x102400x16xf32, #tpu.memory_space<hbm>> -> memref<102400x16xf32, #tpu.memory_space<hbm>>
      %dma_wait3A_276 = arith.constant 0 : i32
      %dma_wait3A_277 = arith.constant 0 : i32
      %dma_wait3A_278 = tpu.memref_slice %dma_wait3A_275[%dma_wait3A_276, %dma_wait3A_277] : memref<102400x16xf32, #tpu.memory_space<hbm>> -> memref<102400x16xf32, #tpu.memory_space<hbm>>
      tpu.wait_indirect_dma semaphore(%arg9 : memref<!tpu.dma_semaphore, #tpu.memory_space<semaphore_mem>>) src(%dma_wait3A_278 : memref<102400x16xf32, #tpu.memory_space<hbm>>) dst(%dma_wait3A_268 : memref<128x16xf32, #tpu.memory_space<vmem>>)
      %mul3A_279 = arith.constant 4 : i32
      %mul3A_280 = arith.muli %add3A_207, %mul3A_279 : i32
      %add3A_281 = arith.constant 1 : i32
      %add3A_282 = arith.addi %mul3A_280, %add3A_281 : i32
      %dma_wait3A_283 = arith.constant 128 : i32
      %dma_wait3A_284 = arith.constant 0 : i32
      %dma_wait3A_285 = tpu.memref_slice %arg7[%dma_wait3A_283, %dma_wait3A_284] : memref<512x16xf32, #tpu.memory_space<vmem>> -> memref<128x16xf32, #tpu.memory_space<vmem>>
      %dma_wait3A_286 = arith.constant 0 : i32
      %dma_wait3A_287 = tpu.memref_slice %arg5[%add3A_282, %dma_wait3A_286] : memref<104x128xi32, #tpu.memory_space<vmem>> -> memref<1x128xi32, #tpu.memory_space<vmem>>
      %dma_wait3A_288 = tpu.memref_squeeze %dma_wait3A_287 : memref<1x128xi32, #tpu.memory_space<vmem>> -> memref<128xi32, #tpu.memory_space<vmem>>
      %dma_wait3A_289 = arith.constant 0 : i32
      %dma_wait3A_290 = arith.constant 0 : i32
      %dma_wait3A_291 = tpu.memref_slice %arg2[%select_n3A_243, %dma_wait3A_289, %dma_wait3A_290] : memref<26x102400x16xf32, #tpu.memory_space<hbm>> -> memref<1x102400x16xf32, #tpu.memory_space<hbm>>
      %dma_wait3A_292 = tpu.memref_squeeze %dma_wait3A_291 : memref<1x102400x16xf32, #tpu.memory_space<hbm>> -> memref<102400x16xf32, #tpu.memory_space<hbm>>
      %dma_wait3A_293 = arith.constant 0 : i32
      %dma_wait3A_294 = arith.constant 0 : i32
      %dma_wait3A_295 = tpu.memref_slice %dma_wait3A_292[%dma_wait3A_293, %dma_wait3A_294] : memref<102400x16xf32, #tpu.memory_space<hbm>> -> memref<102400x16xf32, #tpu.memory_space<hbm>>
      tpu.wait_indirect_dma semaphore(%arg9 : memref<!tpu.dma_semaphore, #tpu.memory_space<semaphore_mem>>) src(%dma_wait3A_295 : memref<102400x16xf32, #tpu.memory_space<hbm>>) dst(%dma_wait3A_285 : memref<128x16xf32, #tpu.memory_space<vmem>>)
      %mul3A_296 = arith.constant 4 : i32
      %mul3A_297 = arith.muli %add3A_207, %mul3A_296 : i32
      %add3A_298 = arith.constant 2 : i32
      %add3A_299 = arith.addi %mul3A_297, %add3A_298 : i32
      %dma_wait3A_300 = arith.constant 256 : i32
      %dma_wait3A_301 = arith.constant 0 : i32
      %dma_wait3A_302 = tpu.memref_slice %arg7[%dma_wait3A_300, %dma_wait3A_301] : memref<512x16xf32, #tpu.memory_space<vmem>> -> memref<128x16xf32, #tpu.memory_space<vmem>>
      %dma_wait3A_303 = arith.constant 0 : i32
      %dma_wait3A_304 = tpu.memref_slice %arg5[%add3A_299, %dma_wait3A_303] : memref<104x128xi32, #tpu.memory_space<vmem>> -> memref<1x128xi32, #tpu.memory_space<vmem>>
      %dma_wait3A_305 = tpu.memref_squeeze %dma_wait3A_304 : memref<1x128xi32, #tpu.memory_space<vmem>> -> memref<128xi32, #tpu.memory_space<vmem>>
      %dma_wait3A_306 = arith.constant 0 : i32
      %dma_wait3A_307 = arith.constant 0 : i32
      %dma_wait3A_308 = tpu.memref_slice %arg2[%select_n3A_243, %dma_wait3A_306, %dma_wait3A_307] : memref<26x102400x16xf32, #tpu.memory_space<hbm>> -> memref<1x102400x16xf32, #tpu.memory_space<hbm>>
      %dma_wait3A_309 = tpu.memref_squeeze %dma_wait3A_308 : memref<1x102400x16xf32, #tpu.memory_space<hbm>> -> memref<102400x16xf32, #tpu.memory_space<hbm>>
      %dma_wait3A_310 = arith.constant 0 : i32
      %dma_wait3A_311 = arith.constant 0 : i32
      %dma_wait3A_312 = tpu.memref_slice %dma_wait3A_309[%dma_wait3A_310, %dma_wait3A_311] : memref<102400x16xf32, #tpu.memory_space<hbm>> -> memref<102400x16xf32, #tpu.memory_space<hbm>>
      tpu.wait_indirect_dma semaphore(%arg9 : memref<!tpu.dma_semaphore, #tpu.memory_space<semaphore_mem>>) src(%dma_wait3A_312 : memref<102400x16xf32, #tpu.memory_space<hbm>>) dst(%dma_wait3A_302 : memref<128x16xf32, #tpu.memory_space<vmem>>)
      %mul3A_313 = arith.constant 4 : i32
      %mul3A_314 = arith.muli %add3A_207, %mul3A_313 : i32
      %add3A_315 = arith.constant 3 : i32
      %add3A_316 = arith.addi %mul3A_314, %add3A_315 : i32
      %dma_wait3A_317 = arith.constant 384 : i32
      %dma_wait3A_318 = arith.constant 0 : i32
      %dma_wait3A_319 = tpu.memref_slice %arg7[%dma_wait3A_317, %dma_wait3A_318] : memref<512x16xf32, #tpu.memory_space<vmem>> -> memref<128x16xf32, #tpu.memory_space<vmem>>
      %dma_wait3A_320 = arith.constant 0 : i32
      %dma_wait3A_321 = tpu.memref_slice %arg5[%add3A_316, %dma_wait3A_320] : memref<104x128xi32, #tpu.memory_space<vmem>> -> memref<1x128xi32, #tpu.memory_space<vmem>>
      %dma_wait3A_322 = tpu.memref_squeeze %dma_wait3A_321 : memref<1x128xi32, #tpu.memory_space<vmem>> -> memref<128xi32, #tpu.memory_space<vmem>>
      %dma_wait3A_323 = arith.constant 0 : i32
      %dma_wait3A_324 = arith.constant 0 : i32
      %dma_wait3A_325 = tpu.memref_slice %arg2[%select_n3A_243, %dma_wait3A_323, %dma_wait3A_324] : memref<26x102400x16xf32, #tpu.memory_space<hbm>> -> memref<1x102400x16xf32, #tpu.memory_space<hbm>>
      %dma_wait3A_326 = tpu.memref_squeeze %dma_wait3A_325 : memref<1x102400x16xf32, #tpu.memory_space<hbm>> -> memref<102400x16xf32, #tpu.memory_space<hbm>>
      %dma_wait3A_327 = arith.constant 0 : i32
      %dma_wait3A_328 = arith.constant 0 : i32
      %dma_wait3A_329 = tpu.memref_slice %dma_wait3A_326[%dma_wait3A_327, %dma_wait3A_328] : memref<102400x16xf32, #tpu.memory_space<hbm>> -> memref<102400x16xf32, #tpu.memory_space<hbm>>
      tpu.wait_indirect_dma semaphore(%arg9 : memref<!tpu.dma_semaphore, #tpu.memory_space<semaphore_mem>>) src(%dma_wait3A_329 : memref<102400x16xf32, #tpu.memory_space<hbm>>) dst(%dma_wait3A_319 : memref<128x16xf32, #tpu.memory_space<vmem>>)
      %mul3A_330 = arith.constant 16 : i32
      %mul3A_331 = arith.muli %select_n3A_243, %mul3A_330 : i32
      "tpu.region"() ({
        %run_scoped3A = tpu.sem_alloc : memref<!tpu.dma_semaphore, #tpu.memory_space<semaphore_mem>>
        %dma_start3A_332 = tpu.memref_slice %arg4[%mul3A_261, %mul3A_331] : memref<16384x416xf32, #tpu.memory_space<hbm>> -> memref<512x16xf32, #tpu.memory_space<hbm>>
        %dma_start3A_333 = tpu.memref_slice %arg4[%mul3A_261, %mul3A_331] : memref<16384x416xf32, #tpu.memory_space<hbm>> -> memref<512x16xf32, #tpu.memory_space<hbm>>
        tpu.enqueue_dma source(%arg7 : memref<512x16xf32, #tpu.memory_space<vmem>>) target(%dma_start3A_333 : memref<512x16xf32, #tpu.memory_space<hbm>>) target_semaphore(%run_scoped3A : memref<!tpu.dma_semaphore, #tpu.memory_space<semaphore_mem>>)
        %dma_wait3A_334 = tpu.memref_slice %arg4[%mul3A_261, %mul3A_331] : memref<16384x416xf32, #tpu.memory_space<hbm>> -> memref<512x16xf32, #tpu.memory_space<hbm>>
        %dma_wait3A_335 = tpu.memref_slice %arg4[%mul3A_261, %mul3A_331] : memref<16384x416xf32, #tpu.memory_space<hbm>> -> memref<512x16xf32, #tpu.memory_space<hbm>>
        tpu.wait_dma2 semaphore(%run_scoped3A : memref<!tpu.dma_semaphore, #tpu.memory_space<semaphore_mem>>) src(%arg7 : memref<512x16xf32, #tpu.memory_space<vmem>>) dst(%dma_wait3A_335 : memref<512x16xf32, #tpu.memory_space<hbm>>)
        tpu.yield
      }) : () -> ()
    }
    %scan3A_79 = arith.constant 13 : i32
    return
  }
}

module attributes {stable_mosaic.version = 14 : i64} {
  func.func @_tpose_body(%arg0: i32, %arg1: i32, %arg2: memref<1x16x102400xf32, #tpu.memory_space<vmem>>, %arg3: memref<1x12800x128xf32, #tpu.memory_space<vmem>>) attributes {dimension_semantics = [#tpu.dimension_semantics<arbitrary>, #tpu.dimension_semantics<arbitrary>], iteration_bounds = array<i64: 26, 1>, scalar_prefetch = 0 : i64, scratch_operands = 0 : i64, tpu.core_type = #tpu.core_type<tc>, window_params = [{transform_indices = @transform_0, window_bounds = array<i64: 1, 16, 102400>}, {transform_indices = @transform_1, window_bounds = array<i64: 1, 12800, 128>}]} {
    %get3A = arith.constant 0 : index
    %get3A_0 = arith.constant 0 : index
    %get3A_1 = arith.constant 0 : index
    %get3A_2 = vector.load %arg2[%get3A, %get3A_0, %get3A_1] : memref<1x16x102400xf32, #tpu.memory_space<vmem>>, vector<1x16x102400xf32>
    %get3A_3 = vector.shape_cast %get3A_2 : vector<1x16x102400xf32> to vector<16x102400xf32>
    %slice3A = vector.extract_strided_slice %get3A_3 {offsets = [0, 0], sizes = [16, 12800], strides = [1, 1]} : vector<16x102400xf32> to vector<16x12800xf32>
    %slice3A_4 = vector.extract_strided_slice %get3A_3 {offsets = [0, 12800], sizes = [16, 12800], strides = [1, 1]} : vector<16x102400xf32> to vector<16x12800xf32>
    %slice3A_5 = vector.extract_strided_slice %get3A_3 {offsets = [0, 25600], sizes = [16, 12800], strides = [1, 1]} : vector<16x102400xf32> to vector<16x12800xf32>
    %slice3A_6 = vector.extract_strided_slice %get3A_3 {offsets = [0, 38400], sizes = [16, 12800], strides = [1, 1]} : vector<16x102400xf32> to vector<16x12800xf32>
    %slice3A_7 = vector.extract_strided_slice %get3A_3 {offsets = [0, 51200], sizes = [16, 12800], strides = [1, 1]} : vector<16x102400xf32> to vector<16x12800xf32>
    %slice3A_8 = vector.extract_strided_slice %get3A_3 {offsets = [0, 64000], sizes = [16, 12800], strides = [1, 1]} : vector<16x102400xf32> to vector<16x12800xf32>
    %slice3A_9 = vector.extract_strided_slice %get3A_3 {offsets = [0, 76800], sizes = [16, 12800], strides = [1, 1]} : vector<16x102400xf32> to vector<16x12800xf32>
    %slice3A_10 = vector.extract_strided_slice %get3A_3 {offsets = [0, 89600], sizes = [16, 12800], strides = [1, 1]} : vector<16x102400xf32> to vector<16x12800xf32>
    %concatenate3A = tpu.concatenate %slice3A, %slice3A_4, %slice3A_5, %slice3A_6, %slice3A_7, %slice3A_8, %slice3A_9, %slice3A_10 in 0 : vector<16x12800xf32>, vector<16x12800xf32>, vector<16x12800xf32>, vector<16x12800xf32>, vector<16x12800xf32>, vector<16x12800xf32>, vector<16x12800xf32>, vector<16x12800xf32> -> vector<128x12800xf32>
    %transpose3A = tpu.transpose %concatenate3A, [1, 0] : vector<128x12800xf32> -> vector<12800x128xf32>
    %swap3A = arith.constant 0 : index
    %swap3A_11 = arith.constant 0 : index
    %swap3A_12 = arith.constant 0 : index
    %swap3A_13 = vector.load %arg3[%swap3A, %swap3A_11, %swap3A_12] : memref<1x12800x128xf32, #tpu.memory_space<vmem>>, vector<1x12800x128xf32>
    %swap3A_14 = vector.shape_cast %swap3A_13 : vector<1x12800x128xf32> to vector<12800x128xf32>
    %swap3A_15 = vector.shape_cast %transpose3A : vector<12800x128xf32> to vector<1x12800x128xf32>
    tpu.vector_store %arg3[%swap3A, %swap3A_11, %swap3A_12], %swap3A_15 {strides = array<i32>} : memref<1x12800x128xf32, #tpu.memory_space<vmem>>, vector<1x12800x128xf32>,
    return
  }
  func.func @transform_0(%arg0: i32, %arg1: i32) -> (i32, i32, i32) {
    %c0_i32 = arith.constant 0 : i32
    %c0_i32_0 = arith.constant 0 : i32
    return %arg0, %c0_i32, %arg1 : i32, i32, i32
  }
  func.func @transform_1(%arg0: i32, %arg1: i32) -> (i32, i32, i32) {
    %c0_i32 = arith.constant 0 : i32
    %c0_i32_0 = arith.constant 0 : i32
    return %arg0, %arg1, %c0_i32 : i32, i32, i32
  }
}

module attributes {stable_mosaic.version = 14 : i64} {
  func.func @_mlp_body(%arg0: i32, %arg1: memref<2048x416xf32, #tpu.memory_space<vmem>>, %arg2: memref<416x400xf32, #tpu.memory_space<vmem>>, %arg3: memref<1x400xf32, #tpu.memory_space<vmem>>, %arg4: memref<400x400xf32, #tpu.memory_space<vmem>>, %arg5: memref<1x400xf32, #tpu.memory_space<vmem>>, %arg6: memref<400x1xf32, #tpu.memory_space<vmem>>, %arg7: memref<1x1xf32, #tpu.memory_space<vmem>>, %arg8: memref<2048x1xf32, #tpu.memory_space<vmem>>) attributes {dimension_semantics = [#tpu.dimension_semantics<arbitrary>], iteration_bounds = array<i64: 8>, scalar_prefetch = 0 : i64, scratch_operands = 0 : i64, tpu.core_type = #tpu.core_type<tc>, window_params = [{transform_indices = @transform_0, window_bounds = array<i64: 2048, 416>}, {pipeline_mode = #tpu.pipeline_mode<synchronous>, transform_indices = @transform_1, window_bounds = array<i64: 416, 400>}, {pipeline_mode = #tpu.pipeline_mode<synchronous>, transform_indices = @transform_2, window_bounds = array<i64: 1, 400>}, {pipeline_mode = #tpu.pipeline_mode<synchronous>, transform_indices = @transform_3, window_bounds = array<i64: 400, 400>}, {pipeline_mode = #tpu.pipeline_mode<synchronous>, transform_indices = @transform_4, window_bounds = array<i64: 1, 400>}, {pipeline_mode = #tpu.pipeline_mode<synchronous>, transform_indices = @transform_5, window_bounds = array<i64: 400, 1>}, {pipeline_mode = #tpu.pipeline_mode<synchronous>, transform_indices = @transform_6, window_bounds = array<i64: 1, 1>}, {transform_indices = @transform_7, window_bounds = array<i64: 2048, 1>}]} {
    %get3A = arith.constant 0 : index
    %get3A_0 = arith.constant 0 : index
    %get3A_1 = vector.load %arg1[%get3A, %get3A_0] : memref<2048x416xf32, #tpu.memory_space<vmem>>, vector<2048x416xf32>
    %get3A_2 = arith.constant 0 : index
    %get3A_3 = arith.constant 0 : index
    %get3A_4 = vector.load %arg2[%get3A_2, %get3A_3] : memref<416x400xf32, #tpu.memory_space<vmem>>, vector<416x400xf32>
    %dot_general3A = arith.constant dense<0.000000e+00> : vector<2048x400xf32>
    %dot_general3A_5 = tpu.matmul %get3A_1, %get3A_4, %dot_general3A {dimension_numbers = #tpu.dot_dimension_numbers<[1], [0], [0], [1], [0, 0, 1, 1], [], []>, transpose_lhs_hint = false} : vector<2048x416xf32>, vector<416x400xf32>, vector<2048x400xf32> -> vector<2048x400xf32>
    %get3A_6 = arith.constant 0 : index
    %get3A_7 = arith.constant 0 : index
    %get3A_8 = vector.load %arg3[%get3A_6, %get3A_7] : memref<1x400xf32, #tpu.memory_space<vmem>>, vector<1x400xf32>
    %add3A = vector.broadcast %get3A_8 : vector<1x400xf32> to vector<2048x400xf32>
    %add3A_9 = arith.addf %dot_general3A_5, %add3A : vector<2048x400xf32>
    %max3A = arith.constant 0.000000e+00 : f32
    %max3A_10 = vector.broadcast %max3A : f32 to vector<2048x400xf32>
    %max3A_11 = arith.maximumf %add3A_9, %max3A_10 : vector<2048x400xf32>
    %get3A_12 = arith.constant 0 : index
    %get3A_13 = arith.constant 0 : index
    %get3A_14 = vector.load %arg4[%get3A_12, %get3A_13] : memref<400x400xf32, #tpu.memory_space<vmem>>, vector<400x400xf32>
    %dot_general3A_15 = arith.constant dense<0.000000e+00> : vector<2048x400xf32>
    %dot_general3A_16 = tpu.matmul %max3A_11, %get3A_14, %dot_general3A_15 {dimension_numbers = #tpu.dot_dimension_numbers<[1], [0], [0], [1], [0, 0, 1, 1], [], []>, transpose_lhs_hint = false} : vector<2048x400xf32>, vector<400x400xf32>, vector<2048x400xf32> -> vector<2048x400xf32>
    %get3A_17 = arith.constant 0 : index
    %get3A_18 = arith.constant 0 : index
    %get3A_19 = vector.load %arg5[%get3A_17, %get3A_18] : memref<1x400xf32, #tpu.memory_space<vmem>>, vector<1x400xf32>
    %add3A_20 = vector.broadcast %get3A_19 : vector<1x400xf32> to vector<2048x400xf32>
    %add3A_21 = arith.addf %dot_general3A_16, %add3A_20 : vector<2048x400xf32>
    %max3A_22 = arith.constant 0.000000e+00 : f32
    %max3A_23 = vector.broadcast %max3A_22 : f32 to vector<2048x400xf32>
    %max3A_24 = arith.maximumf %add3A_21, %max3A_23 : vector<2048x400xf32>
    %get3A_25 = arith.constant 0 : index
    %get3A_26 = arith.constant 0 : index
    %get3A_27 = vector.load %arg6[%get3A_25, %get3A_26] : memref<400x1xf32, #tpu.memory_space<vmem>>, vector<400x1xf32>
    %dot_general3A_28 = arith.constant dense<0.000000e+00> : vector<2048x1xf32>
    %dot_general3A_29 = tpu.matmul %max3A_24, %get3A_27, %dot_general3A_28 {dimension_numbers = #tpu.dot_dimension_numbers<[1], [0], [0], [1], [0, 0, 1, 1], [], []>, transpose_lhs_hint = false} : vector<2048x400xf32>, vector<400x1xf32>, vector<2048x1xf32> -> vector<2048x1xf32>
    %get3A_30 = arith.constant 0 : index
    %get3A_31 = arith.constant 0 : index
    %get3A_32 = vector.load %arg7[%get3A_30, %get3A_31] : memref<1x1xf32, #tpu.memory_space<vmem>>, vector<1x1xf32>
    %add3A_33 = vector.broadcast %get3A_32 : vector<1x1xf32> to vector<2048x1xf32>
    %add3A_34 = arith.addf %dot_general3A_29, %add3A_33 : vector<2048x1xf32>
    %logistic3A = arith.negf %add3A_34 : vector<2048x1xf32>
    %logistic3A_35 = math.exp %logistic3A : vector<2048x1xf32>
    %logistic3A_36 = arith.constant 1.000000e+00 : f32
    %logistic3A_37 = vector.broadcast %logistic3A_36 : f32 to vector<2048x1xf32>
    %logistic3A_38 = arith.addf %logistic3A_37, %logistic3A_35 : vector<2048x1xf32>
    %logistic3A_39 = arith.divf %logistic3A_37, %logistic3A_38 : vector<2048x1xf32>
    %swap3A = arith.constant 0 : index
    %swap3A_40 = arith.constant 0 : index
    %swap3A_41 = vector.load %arg8[%swap3A, %swap3A_40] : memref<2048x1xf32, #tpu.memory_space<vmem>>, vector<2048x1xf32>
    tpu.vector_store %arg8[%swap3A, %swap3A_40], %logistic3A_39 {strides = array<i32>} : memref<2048x1xf32, #tpu.memory_space<vmem>>, vector<2048x1xf32>,
    return
  }
  func.func @transform_0(%arg0: i32) -> (i32, i32) {
    %c0_i32 = arith.constant 0 : i32
    %c0_i32_0 = arith.constant 0 : i32
    return %arg0, %c0_i32 : i32, i32
  }
  func.func @transform_1(%arg0: i32) -> (i32, i32) {
    %c0_i32 = arith.constant 0 : i32
    %c0_i32_0 = arith.constant 0 : i32
    %c0_i32_1 = arith.constant 0 : i32
    return %c0_i32, %c0_i32_0 : i32, i32
  }
  func.func @transform_2(%arg0: i32) -> (i32, i32) {
    %c0_i32 = arith.constant 0 : i32
    %c0_i32_0 = arith.constant 0 : i32
    %c0_i32_1 = arith.constant 0 : i32
    return %c0_i32, %c0_i32_0 : i32, i32
  }
  func.func @transform_3(%arg0: i32) -> (i32, i32) {
    %c0_i32 = arith.constant 0 : i32
    %c0_i32_0 = arith.constant 0 : i32
    %c0_i32_1 = arith.constant 0 : i32
    return %c0_i32, %c0_i32_0 : i32, i32
  }
  func.func @transform_4(%arg0: i32) -> (i32, i32) {
    %c0_i32 = arith.constant 0 : i32
    %c0_i32_0 = arith.constant 0 : i32
    %c0_i32_1 = arith.constant 0 : i32
    return %c0_i32, %c0_i32_0 : i32, i32
  }
  func.func @transform_5(%arg0: i32) -> (i32, i32) {
    %c0_i32 = arith.constant 0 : i32
    %c0_i32_0 = arith.constant 0 : i32
    %c0_i32_1 = arith.constant 0 : i32
    return %c0_i32, %c0_i32_0 : i32, i32
  }
  func.func @transform_6(%arg0: i32) -> (i32, i32) {
    %c0_i32 = arith.constant 0 : i32
    %c0_i32_0 = arith.constant 0 : i32
    %c0_i32_1 = arith.constant 0 : i32
    return %c0_i32, %c0_i32_0 : i32, i32
  }
  func.func @transform_7(%arg0: i32) -> (i32, i32) {
    %c0_i32 = arith.constant 0 : i32
    %c0_i32_0 = arith.constant 0 : i32
    return %arg0, %c0_i32 : i32, i32
  }
}

</mosaic_0001>

<sc_bundles>
// kernel: kernel.5.cloned.1.call-start
scs
__scs_entry_jumppad:
0x0: {  	(pc) =	sbr.rel $0x88, $3  }
0x1: {  	(tag) =	ssettag $0x0;
	lr =	simm.s32 $0x1  }
0x2: {  	[smem:$0x3F99] =	sst lr;
	_ =	strace $0xD0000000  }
0x3: {  	_ = 	snop  }
0x4: {  	_ = 	snop  }
0x5: {  	_ = 	snop  }
0x6: {  	_ = 	snop  }
0x7: {  	_ = 	snop  }
__scs_overlays_trampoline_lowered:
0x8: {  	[smem:$0x3FA8] =	sst s0  }
0x9: {  	[smem:$0x3FA9] =	sst s1  }
0xa: {  	[smem:$0x3FAA] =	sst s2  }
0xb: {  	[smem:$0x3FAB] =	sst s3  }
0xc: {  	[smem:$0x3FAC] =	sst s4  }
0xd: {  	[smem:$0x3FAD] =	sst s5  }
0xe: {  	[smem:$0x3FAE] =	sst s6  }
0xf: {  	[smem:$0x3FAF] =	sst s7  }
0x10: {  	[smem:$0x3FB0] =	sst s8  }
0x11: {  	[smem:$0x3FB1] =	sst s9;
	s0 =	simm.s32 @!p0 $0x0  }
0x12: {  	s1 =	sld [smem:$0x3F97];
	s0 =	simm.s32 @p0 $0x1  }
0x13: {  	[smem:$0x3FB2] =	sst s0;
	s0 =	simm.s32 @!p1 $0x0  }
0x14: {  	s2 =	sld [smem:$0x3F96];
	s0 =	simm.s32 @p1 $0x1  }
0x15: {  	[smem:$0x3FB3] =	sst s0;
	s0 =	simm.s32 @!p2 $0x0  }
0x16: {  	s3 =	sld [smem:$0x3FDB];
	s0 =	simm.s32 @p2 $0x1  }
0x17: {  	s4 =	simm.s32 $0x1BF5;
	[smem:$0x3FB5] =	sst s0  }
0x18: {  	s0 =	sld [smem:$0x3F98];
	_ =	swait.ge [sflag:s4], $0x0  }
0x19: {  	s7 =	sld [smem:$0x3F99]  }
0x1a: {  	s8 =	sadd.s32 $0xFFFFE003, lr  }
0x1b: {  	s9 =	sadd.s32 $0xFFFFFEF7, lr;
	s5 =	simm.s32 $0xFFFFFFFF;
	p2 =	slt.u32 s8, $0xFFFFF086  }
0x1c: {  	p1 =	slt.u32 s9, $0xF7A;
	s5 =	simm.s32 @!p2 $0x0  }
0x1d: {  	s5 =	simm.s32 @p1 $0x1;
	p0 =	seq.s32 s7, s2  }
0x1e: {  	s7 =	smul.u32 @!p0 $0xF7A, s2;
	p2 =	seq.s32 @!p0 s5, $0x0  }
0x1f: {  	s9 =	smul.u32 $0xF7A, s1;
	s8 =	simm.s32 @!p0 $0x1BF5;
	p2 =	por !p2, p0  }
0x20: {  	[sflag:s8] =	ssyncset.s32 @!p0 $0xFFFFF086;
	s6 =	sadd.s32 @!p0 s3, s7;
	s7 =	simm.s32 @!p0 $0x108  }
0x21: {  	s3 =	sadd.s32 s3, s9;
	s6 =	sadd.s32 @!p0 $0x88, s6;
	s7 =	simm.s32 @p2 $0x1082  }
0x22: {  	[simem:s7], [sflag:s8] =	dma.local @!p0 [hbm:s6], $0xF7A  }
0x23: {  	s9 =	sor.u32 $0xD0000000, s2;
	s6 =	simm.s32 $0x108;
	_ =	swait.ge @!p0 [sflag:s8], $0x0  }
0x24: {  	s3 =	sadd.s32 $0x88, s3;
	s6 =	simm.s32 @!p1 $0x1082;
	[sflag:s4] =	ssyncset.s32 $0xFFFFF086  }
0x25: {  	[simem:s6], [sflag:s4] =	dma.local [hbm:s3], $0xF7A  }
0x26: {  	[smem:$0x3F99] =	sst s1;
	(tag) =	ssettag s2;
	_ =	strace s9  }
0x27: {  	s1 =	sld [smem:$0x3FA9]  }
0x28: {  	s2 =	sld [smem:$0x3FAA]  }
0x29: {  	s4 =	sld [smem:$0x3FAC]  }
0x2a: {  	p0 =	seq.s32 s5, $0x0;
	s5 =	sld [smem:$0x3FAD]  }
0x2b: {  	s6 =	sld [smem:$0x3FAE]  }
0x2c: {  	s7 =	sld [smem:$0x3FAF]  }
0x2d: {  	s3 =	simm.s32 $0x108;
	s8 =	sld [smem:$0x3FB0]  }
0x2e: {  	s3 =	simm.s32 @!p0 $0x1082;
	s9 =	sld [smem:$0x3FB1]  }
0x2f: {  	lr =	sadd.s32 s0, s3;
	s0 =	sld [smem:$0x3FA8]  }
0x30: {  	s3 =	sld [smem:$0x3FAB]  }
0x31: {  	[smem:$0x3FB4] =	sst s10  }
0x32: {  	s10 =	sld [smem:$0x3FB2];
	_ =	sdelay $0x3  }
0x33: {  	p0 =	seq.s32 s10, $0x1;
	s10 =	sld [smem:$0x3FB4];
	_ =	sdelay $0x3  }
0x34: {  	[smem:$0x3FB4] =	sst s10  }
0x35: {  	s10 =	sld [smem:$0x3FB3];
	_ =	sdelay $0x3  }
0x36: {  	p1 =	seq.s32 s10, $0x1;
	s10 =	sld [smem:$0x3FB4];
	_ =	sdelay $0x3  }
0x37: {  	[smem:$0x3FB4] =	sst s10  }
0x38: {  	s10 =	sld [smem:$0x3FB5]  }
0x39: {  	_ = 	snop;
	(pc) =	sbr.ind lr, $3  }
0x3a: {  	_ = 	snop  }
0x3b: {  	_ = 	snop  }
0x3c: {  	p2 =	seq.s32 s10, $0x1;
	s10 =	sld [smem:$0x3FB4]  }
0x3d: {  	_ =	shalt  }
0x3e: {  	_ =	shalt  }
0x3f: {  	_ =	shalt  }
0x40: {  	_ =	shalt  }
0x41: {  	_ =	shalt  }
0x42: {  	_ =	shalt  }
0x43: {  	_ =	shalt  }
0x44: {  	_ =	shalt  }
0x45: {  	_ =	shalt  }
0x46: {  	_ =	shalt  }
0x47: {  	_ =	shalt  }
0x48: {  	_ =	shalt  }
0x49: {  	_ =	shalt  }
0x4a: {  	_ =	shalt  }
0x4b: {  	_ =	shalt  }
0x4c: {  	_ =	shalt  }
0x4d: {  	_ =	shalt  }
0x4e: {  	_ =	shalt  }
0x4f: {  	_ =	shalt  }
0x50: {  	_ =	shalt  }
0x51: {  	_ =	shalt  }
0x52: {  	_ =	shalt  }
0x53: {  	_ =	shalt  }
0x54: {  	_ =	shalt  }
0x55: {  	_ =	shalt  }
0x56: {  	_ =	shalt  }
0x57: {  	_ =	shalt  }
0x58: {  	_ =	shalt  }
0x59: {  	_ =	shalt  }
0x5a: {  	_ =	shalt  }
0x5b: {  	_ =	shalt  }
0x5c: {  	_ =	shalt  }
0x5d: {  	_ =	shalt  }
0x5e: {  	_ =	shalt  }
0x5f: {  	_ =	shalt  }
0x60: {  	_ =	shalt  }
0x61: {  	_ =	shalt  }
0x62: {  	_ =	shalt  }
0x63: {  	_ =	shalt  }
0x64: {  	_ =	shalt  }
0x65: {  	_ =	shalt  }
0x66: {  	_ =	shalt  }
0x67: {  	_ =	shalt  }
0x68: {  	_ =	shalt  }
0x69: {  	_ =	shalt  }
0x6a: {  	_ =	shalt  }
0x6b: {  	_ =	shalt  }
0x6c: {  	_ =	shalt  }
0x6d: {  	_ =	shalt  }
0x6e: {  	_ =	shalt  }
0x6f: {  	_ =	shalt  }
0x70: {  	_ =	shalt  }
0x71: {  	_ =	shalt  }
0x72: {  	_ =	shalt  }
0x73: {  	_ =	shalt  }
0x74: {  	_ =	shalt  }
0x75: {  	_ =	shalt  }
0x76: {  	_ =	shalt  }
0x77: {  	_ =	shalt  }
0x78: {  	_ =	shalt  }
0x79: {  	_ =	shalt  }
0x7a: {  	_ =	shalt  }
0x7b: {  	_ =	shalt  }
0x7c: {  	_ =	shalt  }
0x7d: {  	_ =	shalt  }
0x7e: {  	_ =	shalt  }
0x7f: {  	_ =	shalt  }
0x80: {  	_ =	shalt  }
0x81: {  	_ =	shalt  }
0x82: {  	_ =	shalt  }
0x83: {  	_ =	shalt  }
0x84: {  	_ =	shalt  }
0x85: {  	_ =	shalt  }
0x86: {  	_ =	shalt  }
0x87: {  	_ =	shalt  }
.Lfunc_end0:
.L_simem_size_0:
called_computation_lowered:
.L_overlay_start_0:
0x88: {  	s2 =	sld [smem:$0x3FD9]  }
0x89: {  	s3 =	sld [smem:$0x3FFE];
	_ =	sdelay $0x1  }
0x8a: {  	s1 =	srdreg.scid  }
0x8b: {  	s0 =	sand.u32 $0x1, s1  }
0x8c: {  	s16 =	sshll.u32 s0, $0xA;
	s2 =	sadd.s32 s3, s2  }
0x8d: {  	s2 =	sadd.s32 s2, s16  }
0x8e: {  	[smem:$0x3FC0] =	sst s2  }
0x8f: {  	_ = 	snop  }
0x90: {  	(tm) =	ssettm $0x1  }
0x91: {  	s17 =	sld [smem:$0x3FFB];
	_ =	sdelay $0x3  }
0x92: {  	_ =	strace s17  }
0x93: {  	s2 =	sld [smem:$0x3FFC];
	_ =	sdelay $0x3  }
0x94: {  	_ =	strace s2  }
0x95: {  	s2 =	sld [smem:$0x3FFD];
	_ =	sdelay $0x3  }
0x96: {  	_ =	strace s2  }
0x97: {  	_ =	strace $0x8FFFFFFF  }
0x98: {  	s18 =	sld [smem:$0x3FDB];
	_ =	sdelay $0x1  }
0x99: {  	s19 =	simm.s32 $_scs_section_size  }
0x9a: {  	s4 =	simm.s32 $_size__tile_overlayer_lowered;
	s5 =	simm.s32 $_tile_overlayer_lowered  }
0x9b: {  	s22 =	simm.s32 $0x1BFF;
	s21 =	sshll.u32 s5, $0x1;
	s2 =	sadd.s32 s19, s18  }
0x9c: {  	s6 =	simm.s32 $0x0;
	s20 =	sshll.u32 s4, $0x1;
	s4 =	sadd.s32 s21, s2  }
0x9d: {  	[timem:s6], [sflag:s22] =	dma.local [hbm:s4], s20  }
0x9e: {  	_ =	swait.ge [sflag:s22], s20  }
0x9f: {  	s3 =	ssub.s32 $0x0, s20;
	[sflag:s22] =	ssyncset.done $0x0  }
0xa0: {  	[sflag:s22] =	ssyncadd.s32 s3;
	_ =	sdelay $0x1  }
0xa1: {  	s23 =	simm.s32 $0x1B8B  }
0xa2: {  	_ =	swait.ge [sflag:s23], $0x1  }
0xa3: {  	[sflag:s23] =	ssyncset.done $0x0  }
0xa4: {  	s25 =	simm.s32 $0x1B8E;
	s24 =	sld [smem:$0x3FFE];
	[sflag:s23] =	ssyncadd.s32 $0xFFFFFFFF  }
0xa5: {  	s26 =	simm.s32 $execute0_lowered;
	[smem:$0x3FD2] =	sst s25  }
0xa6: {  	s4 =	sshll.u32 s26, $0x1;
	_ =	strace $0x80000046;
	[dreg:$0x1] =	wrdreg $0xFFFFFFFF  }
0xa7: {  	s28 =	simm.s32 $_size_execute0_lowered;
	s2 =	sadd.s32 s2, s4;
	[dreg:$0x0] =	wrdreg $0x0  }
0xa8: {  	s4 =	sshll.u32 s28, $0x1;
	[dreg:$0x2] =	wrdreg s2  }
0xa9: {  	[dreg:$0x3] =	wrdreg s4  }
0xaa: {  	[dreg:$0x4] =	wrdreg $0xC0  }
0xab: {  	_ =	task [dreg:s6], $0x5FFFF  }
0xac: {  	[dreg:$0x1] =	wrdreg $0xFFFFFFFF  }
0xad: {  	[dreg:$0x0] =	wrdreg $0x60  }
0xae: {  	[dreg:$0x2] =	wrdreg s24  }
0xaf: {  	[dreg:$0x3] =	wrdreg $0x9  }
0xb0: {  	_ =	task.clear_ibuf [dreg:s6], $0x4FFFF;
	_ =	strace $0x90000046  }
0xb1: {  	s29 =	simm.s32 $0x9;
	_ =	strace $0x80000048  }
0xb2: {  	_ =	swait.ge [sflag:s29], $0x1  }
0xb3: {  	[sflag:s29] =	ssyncadd.s32 $0xFFFFFFFF  }
0xb4: {  	_ =	strace $0x90000048  }
0xb5: {  	_ =	sfence  }
0xb6: {  	s30 =	sld [smem:$0x0];
	_ =	sdelay $0x2  }
0xb7: {  	s31 =	sshll.u32 s1, $0xD;
	s1 =	sshrl.u32 s1, $0x2  }
0xb8: {  	s3 =	sand.u32 $0x4000, s31;
	s1 =	sadd.s32 s1, s30  }
0xb9: {  	s0 =	sor.u32 s3, s0;
	s1 =	sshll.u32 s1, $0x11  }
0xba: {  	s0 =	sor.u32 s1, s0  }
0xbb: {  	s0 =	sadd.s32 $0x8F2B, s0  }
0xbc: {  	[sflag:s0] =	ssyncadd.remote.s32 $0x1  }
0xbd: {  	_ =	sfence.sel $0xFFFF  }
0xbe: {  	[dreg:$0x0] =	wrdreg $0xFFFFFFFF;
	(pc) =	sbr.abs _section_cstart, $3  }
0xbf: {  	[dreg:$0x1] =	wrdreg $0xFFFFFFFF  }
0xc0: {  	_ =	task.clear_ibuf [dreg:s6], $0x2FFFF;
	_ =	strace $0x9FFFFFFF  }
0xc1: {  	(tm) =	ssettm $0x7FFFFFFF  }
tec
execute0_lowered:
.L_overlay_start_1:
0x0: {  	(tag) =	ssettag $0x1  }
0x1: {  	s0 =	srdreg.scid  }
0x2: {  	s10 =	stileid.u32;
	s4 =	rddreg [dreg:$0x0]  }
0x3: {  	s2 =	simm.s32 $0x0;
	s11 =	simm.s32 $0x3;
	s12 =	simm.s32 $0x80  }
0x4: {  	s13 =	simm.s32 $0x3400;
	s29 =	simm.s32 $0x5C00;
	s30 =	simm.s32 $0x6400  }
0x5: {  	s19 =	simm.s32 $0x5400;
	s31 =	simm.s32 $0x6C00;
	s20 =	simm.s32 $0x1  }
0x6: {  	s21 =	simm.s32 $0x10;
	s22 =	simm.s32 $0x1A0;
	s23 =	simm.s32 $0x2  }
0x7: {  	s24 =	simm.s32 $0x0;
	s0 =	sand.u32 $0x1, s0;
	s7 =	smul.u32 $0xD0, s10  }
0x8: {  	s1 =	sshll.u32 s10, $0x1;
	[smem:$0x7FF] =	sst s2;
	s10 =	smul.u32 $0x6800, s10  }
0x9: {  	s1 =	sor.u32 s0, s1;
	_ =	strace $0x80000047;
	s8 =	smul.u32 $0x68, s0  }
0xa: {  	s5 =	ssub.s32 $0x2, s0;
	[dreg:$0x2] =	wrdreg s29;
	s3 =	smul.u32 $0x68, s1  }
0xb: {  	[dreg:$0x3] =	wrdreg s30;
	s1 =	smul.u32 $0x680, s1;
	s9 =	sshrl.u32 s5, $0x1  }
0xc: {  	s0 =	smul.u32 $0x3400, s0;
	[dreg:$0x4] =	wrdreg s31;
	s9 =	ssub.s32 s5, s9  }
0xd: {  	s28 =	sadd.s32 s8, s7;
	s3 =	sshrl.u32 s3, $0x7;
	s1 =	sadd.s32 s1, s4  }
0xe: {  	s7 =	smax.u32 s9, $0x1;
	s8 =	sshrl.u32 s28, $0x3;
	s6 =	smul.u32 $0x32000, s3  }
0xf: {  	s9 =	sadd.s32 s0, s10;
	s10 =	sor.u32 $0x4, s28;
	s3 =	sadd.s32 $0xC00, s4  }
0x10: {  	s4 =	sadd.s32 $0x521C00, s4;
	s5 =	sadd.s32 $0x514C00, s1;
	s6 =	sadd.s32 s3, s6  }
.LBB2_1:
0x11: {  	[tilespmem:s2], [sflag:$0x3] =	stream.linear.gather [hbm4b:s5+s2], $0x3400, $0x38;
	[tilespmem:$0x7400] =	vst v63  }
0x12: {  	_ =	swait.ge [sflag:s11], $0x3400  }
0x13: {  	[sflag:s11] =	ssyncset.done $0x0  }
0x14: {  	[sflag:s11] =	ssyncadd.s32 $0xFFFFCC00  }
0x15: {  	[tilespmem:s13], [sflag:$0x1] =	stream.indirect.gather [hbm4b:s6+s12], $0x10, s2, s12, $0xb8;
	[tilespmem:$0x7400] =	vst v63  }
0x16: {  	s0 =	simm.s32 $0x3C00  }
0x17: {  	[tilespmem:s0], [sflag:$0x1] =	stream.indirect.gather [hbm4b:s6+s12], $0x10, s12, s12, $0xb8;
	[tilespmem:$0x7400] =	vst v63  }
0x18: {  	s14 =	simm.s32 $0x100;
	s1 =	simm.s32 $0x4400;
	s15 =	sshrl.u32 s10, $0x7  }
0x19: {  	[tilespmem:s1], [sflag:$0x1] =	stream.indirect.gather [hbm4b:s6+s12], $0x10, s14, s12, $0xb8;
	[tilespmem:$0x7400] =	vst v63  }
0x1a: {  	s16 =	simm.s32 $0x180;
	s0 =	smul.u32 $0x32000, s15;
	s14 =	simm.s32 $0x4C00  }
0x1b: {  	[tilespmem:s14], [sflag:$0x1] =	stream.indirect.gather [hbm4b:s6+s12], $0x10, s16, s12, $0xb8;
	[tilespmem:$0x7400] =	vst v63  }
0x1c: {  	s17 =	simm.s32 $0x200;
	s0 =	sadd.s32 s3, s0  }
0x1d: {  	[tilespmem:s19], [sflag:$0x2] =	stream.indirect.gather [hbm4b:s0+s12], $0x10, s17, s12, $0xb8;
	[tilespmem:$0x7400] =	vst v63  }
0x1e: {  	s18 =	simm.s32 $0x280;
	s25 =	rddreg [dreg:$0x2]  }
0x1f: {  	[tilespmem:s25], [sflag:$0x2] =	stream.indirect.gather [hbm4b:s0+s12], $0x10, s18, s12, $0xb8;
	[tilespmem:$0x7400] =	vst v63  }
0x20: {  	s26 =	rddreg [dreg:$0x3];
	s14 =	simm.s32 $0x300  }
0x21: {  	[tilespmem:s26], [sflag:$0x2] =	stream.indirect.gather [hbm4b:s0+s12], $0x10, s14, s12, $0xb8;
	[tilespmem:$0x7400] =	vst v63  }
0x22: {  	s15 =	rddreg [dreg:$0x4];
	s16 =	simm.s32 $0x380  }
0x23: {  	[tilespmem:s15], [sflag:$0x2] =	stream.indirect.gather [hbm4b:s0+s12], $0x10, s16, s12, $0xb8;
	[tilespmem:$0x7400] =	vst v63  }
0x24: {  	_ =	swait.ge [sflag:s20], $0x800  }
0x25: {  	[sflag:s20] =	ssyncset.done $0x0  }
0x26: {  	[sflag:s20] =	ssyncadd.s32 $0xFFFFF800  }
0x27: {  	_ =	swait.ge [sflag:s20], $0x800  }
0x28: {  	[sflag:s20] =	ssyncset.done $0x0  }
0x29: {  	[sflag:s20] =	ssyncadd.s32 $0xFFFFF800  }
0x2a: {  	s17 =	sand.u32 $0x3C00, s9;
	_ =	swait.ge [sflag:s20], $0x800  }
0x2b: {  	s0 =	smul.u32 $0x1A0, s17;
	[sflag:s20] =	ssyncset.done $0x0  }
0x2c: {  	s18 =	sand.u32 $0xFFFFFF0, s8;
	[sflag:s20] =	ssyncadd.s32 $0xFFFFF800  }
0x2d: {  	p0 =	por $0x0, $0x0;
	s0 =	sadd.s32 s18, s0;
	_ =	swait.ge [sflag:s20], $0x800  }
0x2e: {  	s25 =	sadd.s32 @!p0 $0x4, s10;
	s0 =	sshrl.u32 s0, $0x3;
	[sflag:s20] =	ssyncset.done $0x0  }
0x2f: {  	s25 =	sshrl.u32 @!p0 s25, $0x7;
	s0 =	sadd.s32 s4, s0;
	[sflag:s20] =	ssyncadd.s32 $0xFFFFF800  }
0x30: {  	[hbm4b:s0+s21] =	stream.strided.scatter [tilespmem:s13], [sflag:$0x3], $0x2000, s22, s21, $0x38;
	[tilespmem:$0x7400] =	vst v63  }
0x31: {  	s0 =	smul.u32 @!p0 $0x32000, s25;
	_ =	swait.ge [sflag:s11], $0x2000  }
0x32: {  	s28 =	simm.s32 @!p0 $0x3400;
	s26 =	simm.s32 @!p0 $0x80;
	[sflag:s11] =	ssyncset.done $0x0  }
0x33: {  	s25 =	simm.s32 @!p0 $0x400;
	s0 =	sadd.s32 @!p0 s3, s0;
	[sflag:s11] =	ssyncadd.s32 $0xFFFFE000  }
0x34: {  	[tilespmem:s28], [sflag:$0x1] =	stream.indirect.gather @!p0 [hbm4b:s0+s26], $0x10, s25, s26, $0xb8;
	[tilespmem:$0x7400] =	vst v63  }
0x35: {  	s25 =	simm.s32 @!p0 $0x480;
	s28 =	simm.s32 @!p0 $0x3C00  }
0x36: {  	[tilespmem:s28], [sflag:$0x1] =	stream.indirect.gather @!p0 [hbm4b:s0+s26], $0x10, s25, s26, $0xb8;
	[tilespmem:$0x7400] =	vst v63  }
0x37: {  	s25 =	simm.s32 @!p0 $0x500;
	s28 =	simm.s32 @!p0 $0x4400  }
0x38: {  	[tilespmem:s28], [sflag:$0x1] =	stream.indirect.gather @!p0 [hbm4b:s0+s26], $0x10, s25, s26, $0xb8;
	[tilespmem:$0x7400] =	vst v63  }
0x39: {  	s25 =	simm.s32 @!p0 $0x580;
	s28 =	simm.s32 @!p0 $0x4C00  }
0x3a: {  	[tilespmem:s28], [sflag:$0x1] =	stream.indirect.gather @!p0 [hbm4b:s0+s26], $0x10, s25, s26, $0xb8;
	[tilespmem:$0x7400] =	vst v63  }
0x3b: {  	_ =	swait.ge [sflag:s23], $0x800  }
0x3c: {  	[sflag:s23] =	ssyncset.done $0x0  }
0x3d: {  	[sflag:s23] =	ssyncadd.s32 $0xFFFFF800  }
0x3e: {  	_ =	swait.ge [sflag:s23], $0x800  }
0x3f: {  	[sflag:s23] =	ssyncset.done $0x0  }
0x40: {  	s25 =	sadd.s32 $0x200, s9;
	[sflag:s23] =	ssyncadd.s32 $0xFFFFF800  }
0x41: {  	s29 =	simm.s32 $0x1000;
	s0 =	sand.u32 $0x3E00, s25;
	_ =	swait.ge [sflag:s23], $0x800  }
0x42: {  	s31 =	simm.s32 $0x2000;
	s0 =	smul.u32 $0x1A0, s0;
	[sflag:s23] =	ssyncset.done $0x0  }
0x43: {  	s30 =	sadd.s32 $0x1, s8;
	s28 =	sadd.s32 $0x8, s10;
	[sflag:s23] =	ssyncadd.s32 $0xFFFFF800  }
0x44: {  	s26 =	sshrl.u32 s28, $0x7;
	s0 =	sadd.s32 s18, s0;
	_ =	swait.ge [sflag:s23], $0x800  }
0x45: {  	s25 =	sadd.s32 $0x1, s8;
	s0 =	sshrl.u32 s0, $0x3;
	[sflag:s23] =	ssyncset.done $0x0  }
0x46: {  	s1 =	smul.u32 $0x32000, s26;
	s0 =	sadd.s32 s4, s0;
	[sflag:s23] =	ssyncadd.s32 $0xFFFFF800  }
0x47: {  	[hbm4b:s0+s21] =	stream.strided.scatter [tilespmem:s19], [sflag:$0x3], $0x2000, s22, s21, $0x38;
	[tilespmem:$0x7400] =	vst v63  }
0x48: {  	s26 =	sadd.s32 $0x400, s9;
	s0 =	simm.s32 $0x400;
	_ =	swait.ge [sflag:s11], $0x2000  }
.LBB2_2:
0x49: {  	[sflag:s11] =	ssyncset.done $0x0  }
0x4a: {  	s14 =	sadd.s32 $0x200, s0;
	s15 =	sadd.s32 s3, s1;
	[sflag:s11] =	ssyncadd.s32 $0xFFFFE000  }
0x4b: {  	[tilespmem:s19], [sflag:$0x2] =	stream.indirect.gather [hbm4b:s15+s12], $0x10, s14, s12, $0xb8;
	[tilespmem:$0x7400] =	vst v63  }
0x4c: {  	s16 =	rddreg [dreg:$0x2];
	s18 =	sadd.s32 $0x280, s0  }
0x4d: {  	[tilespmem:s16], [sflag:$0x2] =	stream.indirect.gather [hbm4b:s15+s12], $0x10, s18, s12, $0xb8;
	[tilespmem:$0x7400] =	vst v63  }
0x4e: {  	s17 =	rddreg [dreg:$0x3];
	s18 =	sadd.s32 $0x300, s0  }
0x4f: {  	[tilespmem:s17], [sflag:$0x2] =	stream.indirect.gather [hbm4b:s15+s12], $0x10, s18, s12, $0xb8;
	[tilespmem:$0x7400] =	vst v63  }
0x50: {  	s16 =	rddreg [dreg:$0x4];
	s18 =	sadd.s32 $0x380, s0  }
0x51: {  	[tilespmem:s16], [sflag:$0x2] =	stream.indirect.gather [hbm4b:s15+s12], $0x10, s18, s12, $0xb8;
	[tilespmem:$0x7400] =	vst v63  }
0x52: {  	_ =	swait.ge [sflag:s20], $0x800  }
0x53: {  	[sflag:s20] =	ssyncset.done $0x0  }
0x54: {  	[sflag:s20] =	ssyncadd.s32 $0xFFFFF800  }
0x55: {  	_ =	swait.ge [sflag:s20], $0x800  }
0x56: {  	[sflag:s20] =	ssyncset.done $0x0  }
0x57: {  	[sflag:s20] =	ssyncadd.s32 $0xFFFFF800  }
0x58: {  	s14 =	sand.u32 $0x3C00, s26;
	_ =	swait.ge [sflag:s20], $0x800  }
0x59: {  	s0 =	smul.u32 $0x1A0, s14;
	[sflag:s20] =	ssyncset.done $0x0  }
0x5a: {  	s15 =	sand.u32 $0xFFFFFF0, s30;
	[sflag:s20] =	ssyncadd.s32 $0xFFFFF800  }
0x5b: {  	p1 =	seq.s32 s29, $0xC000;
	s0 =	sadd.s32 s15, s0;
	_ =	swait.ge [sflag:s20], $0x800  }
0x5c: {  	s14 =	sadd.s32 @!p1 $0x4, s28;
	s0 =	sshrl.u32 s0, $0x3;
	[sflag:s20] =	ssyncset.done $0x0  }
0x5d: {  	s14 =	sshrl.u32 @!p1 s14, $0x7;
	s0 =	sadd.s32 s4, s0;
	[sflag:s20] =	ssyncadd.s32 $0xFFFFF800  }
0x5e: {  	[hbm4b:s0+s21] =	stream.strided.scatter [tilespmem:s13], [sflag:$0x3], $0x2000, s22, s21, $0x38;
	[tilespmem:$0x7400] =	vst v63  }
0x5f: {  	s17 =	simm.s32 @!p1 $0x3400;
	s14 =	smul.u32 @!p1 $0x32000, s14;
	_ =	swait.ge [sflag:s11], $0x2000  }
0x60: {  	s16 =	simm.s32 @!p1 $0x80;
	s15 =	sshra.s32 @!p1 s29, $0x2;
	[sflag:s11] =	ssyncset.done $0x0  }
0x61: {  	s14 =	sadd.s32 @!p1 s3, s14;
	s0 =	sadd.s32 @!p1 $0x400, s15;
	[sflag:s11] =	ssyncadd.s32 $0xFFFFE000  }
0x62: {  	[tilespmem:s17], [sflag:$0x1] =	stream.indirect.gather @!p1 [hbm4b:s14+s16], $0x10, s0, s16, $0xb8;
	[tilespmem:$0x7400] =	vst v63  }
0x63: {  	s29 =	sadd.s32 @!p1 $0x480, s15;
	s0 =	simm.s32 @!p1 $0x3C00  }
0x64: {  	[tilespmem:s0], [sflag:$0x1] =	stream.indirect.gather @!p1 [hbm4b:s14+s16], $0x10, s29, s16, $0xb8;
	[tilespmem:$0x7400] =	vst v63  }
0x65: {  	s18 =	simm.s32 @!p1 $0x4400;
	s17 =	sadd.s32 @!p1 $0x500, s15  }
0x66: {  	[tilespmem:s18], [sflag:$0x1] =	stream.indirect.gather @!p1 [hbm4b:s14+s16], $0x10, s17, s16, $0xb8;
	[tilespmem:$0x7400] =	vst v63  }
0x67: {  	s0 =	sadd.s32 @!p1 $0x580, s15;
	s15 =	simm.s32 @!p1 $0x4C00  }
0x68: {  	[tilespmem:s15], [sflag:$0x1] =	stream.indirect.gather @!p1 [hbm4b:s14+s16], $0x10, s0, s16, $0xb8;
	[tilespmem:$0x7400] =	vst v63  }
0x69: {  	_ =	swait.ge [sflag:s23], $0x800  }
0x6a: {  	[sflag:s23] =	ssyncset.done $0x0  }
0x6b: {  	[sflag:s23] =	ssyncadd.s32 $0xFFFFF800  }
0x6c: {  	s1 =	smov.u32 s31;
	s31 =	sadd.s32 $0x1000, s31;
	_ =	swait.ge [sflag:s23], $0x800  }
0x6d: {  	p0 =	sne.s32 s31, $0xD000;
	[sflag:s23] =	ssyncset.done $0x0  }
0x6e: {  	s28 =	sadd.s32 $0x8, s28;
	s16 =	sadd.s32 $0x200, s26;
	[sflag:s23] =	ssyncadd.s32 $0xFFFFF800  }
0x6f: {  	s30 =	sadd.s32 $0x1, s30;
	s0 =	sand.u32 $0x3E00, s16;
	_ =	swait.ge [sflag:s23], $0x800  }
0x70: {  	s29 =	smov.u32 s1;
	s0 =	smul.u32 $0x1A0, s0;
	[sflag:s23] =	ssyncset.done $0x0  }
0x71: {  	s17 =	sand.u32 $0xFFFFFF0, s25;
	s25 =	sadd.s32 $0x1, s25;
	[sflag:s23] =	ssyncadd.s32 $0xFFFFF800  }
.Ltmp0:
0x72: {  	s0 =	sadd.s32 s17, s0;
	_ =	swait.ge [sflag:s23], $0x800;
	(pc) =	sbr.rel @p0 .LBB2_2-.Ltmp0, $4  }
0x73: {  	s18 =	sshrl.u32 s28, $0x7;
	s0 =	sshrl.u32 s0, $0x3;
	[sflag:s23] =	ssyncset.done $0x0  }
0x74: {  	s1 =	smul.u32 $0x32000, s18;
	s0 =	sadd.s32 s4, s0;
	[sflag:s23] =	ssyncadd.s32 $0xFFFFF800  }
0x75: {  	[hbm4b:s0+s21] =	stream.strided.scatter [tilespmem:s19], [sflag:$0x3], $0x2000, s22, s21, $0x38;
	[tilespmem:$0x7400] =	vst v63  }
0x76: {  	s26 =	sadd.s32 $0x400, s26;
	s0 =	sshra.s32 s29, $0x2;
	_ =	swait.ge [sflag:s11], $0x2000  }
0x77: {  	[sflag:s11] =	ssyncset.done $0x0  }
0x78: {  	s14 =	sadd.s32 $0x200, s0;
	s1 =	sadd.s32 s3, s1;
	[sflag:s11] =	ssyncadd.s32 $0xFFFFE000  }
0x79: {  	[tilespmem:s19], [sflag:$0x2] =	stream.indirect.gather [hbm4b:s1+s12], $0x10, s14, s12, $0xb8;
	[tilespmem:$0x7400] =	vst v63  }
0x7a: {  	s15 =	rddreg [dreg:$0x2];
	s17 =	sadd.s32 $0x280, s0  }
0x7b: {  	[tilespmem:s15], [sflag:$0x2] =	stream.indirect.gather [hbm4b:s1+s12], $0x10, s17, s12, $0xb8;
	[tilespmem:$0x7400] =	vst v63  }
0x7c: {  	s16 =	rddreg [dreg:$0x3];
	s18 =	sadd.s32 $0x300, s0  }
0x7d: {  	[tilespmem:s16], [sflag:$0x2] =	stream.indirect.gather [hbm4b:s1+s12], $0x10, s18, s12, $0xb8;
	[tilespmem:$0x7400] =	vst v63  }
0x7e: {  	s31 =	rddreg [dreg:$0x4];
	s16 =	sadd.s32 $0x380, s0  }
0x7f: {  	[tilespmem:s31], [sflag:$0x2] =	stream.indirect.gather [hbm4b:s1+s12], $0x10, s16, s12, $0xb8;
	[tilespmem:$0x7400] =	vst v63  }
0x80: {  	_ =	swait.ge [sflag:s20], $0x800  }
0x81: {  	[sflag:s20] =	ssyncset.done $0x0  }
0x82: {  	[sflag:s20] =	ssyncadd.s32 $0xFFFFF800  }
0x83: {  	_ =	swait.ge [sflag:s20], $0x800  }
0x84: {  	[sflag:s20] =	ssyncset.done $0x0  }
0x85: {  	[sflag:s20] =	ssyncadd.s32 $0xFFFFF800  }
0x86: {  	s17 =	sand.u32 $0x3C00, s26;
	_ =	swait.ge [sflag:s20], $0x800  }
0x87: {  	s0 =	smul.u32 $0x1A0, s17;
	[sflag:s20] =	ssyncset.done $0x0  }
0x88: {  	s18 =	sand.u32 $0xFFFFFF0, s30;
	[sflag:s20] =	ssyncadd.s32 $0xFFFFF800  }
0x89: {  	p0 =	seq.s32 s29, $0xC000;
	s0 =	sadd.s32 s18, s0;
	_ =	swait.ge [sflag:s20], $0x800  }
0x8a: {  	s1 =	sadd.s32 @!p0 $0x4, s28;
	s0 =	sshrl.u32 s0, $0x3;
	[sflag:s20] =	ssyncset.done $0x0  }
0x8b: {  	s1 =	sshrl.u32 @!p0 s1, $0x7;
	s0 =	sadd.s32 s4, s0;
	[sflag:s20] =	ssyncadd.s32 $0xFFFFF800  }
0x8c: {  	[hbm4b:s0+s21] =	stream.strided.scatter [tilespmem:s13], [sflag:$0x3], $0x2000, s22, s21, $0x38;
	[tilespmem:$0x7400] =	vst v63  }
0x8d: {  	s15 =	simm.s32 @!p0 $0x80;
	s1 =	smul.u32 @!p0 $0x32000, s1;
	_ =	swait.ge [sflag:s11], $0x2000  }
0x8e: {  	s16 =	simm.s32 @!p0 $0x3400;
	s0 =	sshra.s32 @!p0 s29, $0x2;
	[sflag:s11] =	ssyncset.done $0x0  }
0x8f: {  	s1 =	sadd.s32 @!p0 s3, s1;
	s14 =	sadd.s32 @!p0 $0x400, s0;
	[sflag:s11] =	ssyncadd.s32 $0xFFFFE000  }
0x90: {  	[tilespmem:s16], [sflag:$0x1] =	stream.indirect.gather @!p0 [hbm4b:s1+s15], $0x10, s14, s15, $0xb8;
	[tilespmem:$0x7400] =	vst v63  }
0x91: {  	s14 =	sadd.s32 @!p0 $0x480, s0;
	s16 =	simm.s32 @!p0 $0x3C00  }
0x92: {  	[tilespmem:s16], [sflag:$0x1] =	stream.indirect.gather @!p0 [hbm4b:s1+s15], $0x10, s14, s15, $0xb8;
	[tilespmem:$0x7400] =	vst v63  }
0x93: {  	s14 =	sadd.s32 @!p0 $0x500, s0;
	s16 =	simm.s32 @!p0 $0x4400  }
0x94: {  	[tilespmem:s16], [sflag:$0x1] =	stream.indirect.gather @!p0 [hbm4b:s1+s15], $0x10, s14, s15, $0xb8;
	[tilespmem:$0x7400] =	vst v63  }
0x95: {  	s0 =	sadd.s32 @!p0 $0x580, s0;
	s14 =	simm.s32 @!p0 $0x4C00  }
0x96: {  	[tilespmem:s14], [sflag:$0x1] =	stream.indirect.gather @!p0 [hbm4b:s1+s15], $0x10, s0, s15, $0xb8;
	[tilespmem:$0x7400] =	vst v63  }
0x97: {  	_ =	swait.ge [sflag:s23], $0x800  }
0x98: {  	[sflag:s23] =	ssyncset.done $0x0  }
0x99: {  	[sflag:s23] =	ssyncadd.s32 $0xFFFFF800  }
0x9a: {  	_ =	swait.ge [sflag:s23], $0x800  }
0x9b: {  	[sflag:s23] =	ssyncset.done $0x0  }
0x9c: {  	s30 =	sadd.s32 $0x200, s26;
	[sflag:s23] =	ssyncadd.s32 $0xFFFFF800  }
0x9d: {  	s0 =	sand.u32 $0x3E00, s30;
	_ =	swait.ge [sflag:s23], $0x800  }
0x9e: {  	s0 =	smul.u32 $0x1A0, s0;
	[sflag:s23] =	ssyncset.done $0x0  }
0x9f: {  	s31 =	sand.u32 $0xFFFFFF0, s25;
	[sflag:s23] =	ssyncadd.s32 $0xFFFFF800  }
0xa0: {  	s24 =	sadd.s32 $0x1, s24;
	s0 =	sadd.s32 s31, s0;
	_ =	swait.ge [sflag:s23], $0x800  }
0xa1: {  	p0 =	sne.s32 s24, s7;
	s0 =	sshrl.u32 s0, $0x3;
	[sflag:s23] =	ssyncset.done $0x0  }
.Ltmp1:
0xa2: {  	s0 =	sadd.s32 s4, s0;
	[sflag:s23] =	ssyncadd.s32 $0xFFFFF800;
	(pc) =	sbr.rel @p0 .LBB2_1-.Ltmp1, $4  }
0xa3: {  	[hbm4b:s0+s21] =	stream.strided.scatter [tilespmem:s19], [sflag:$0x3], $0x2000, s22, s21, $0x38;
	[tilespmem:$0x7400] =	vst v63  }
0xa4: {  	_ =	swait.ge [sflag:s11], $0x2000  }
0xa5: {  	[sflag:s11] =	ssyncset.done $0x0  }
0xa6: {  	[sflag:s11] =	ssyncadd.s32 $0xFFFFE000  }
0xa7: {  	_ =	sfence.sel $0x180000  }
0xa8: {  	[bflag:$0x0] =	sbarrier.arrive $0xFFFF  }
0xa9: {  	_ =	strace $0x90000047  }
0xaa: {  	s0 =	stileid.u32;
	[bflag:$0x2] =	sbarrier.arrive $0xFFFF  }
0xab: {  	p0 =	sne.s32 s0, $0x0;
	s0 =	rddreg [dreg:$0x1]  }
0xac: {  	s0 =	sadd.s32 @!p0 $0x100000, s0  }
0xad: {  	[sflag:s0] =	ssyncadd.tile.s32 @!p0 $0x1;
	_ =	shalt  }
.Lfunc_end2:
_tile_overlayer_lowered:
.L_overlay_start_2:
0xae: {  	(tag) =	ssettag $0x2  }
0xaf: {  	s0 =	rddreg [dreg:$0x0];
	s2 =	stileid.u32  }
0xb0: {  	s1 =	rddreg [dreg:$0x1];
	p0 =	sne.s32 s2, $0x0  }
0xb1: {  	s3 =	rddreg [dreg:$0x2];
	[bflag:$0x3] =	sbarrier.arrive $0xFFFF;
	s2 =	simm.s32 @!p0 $0x1C03  }
0xb2: {  	[timem:s3], [sflag:s2] =	dma.local @!p0 [hbm:s0], s1  }
0xb3: {  	s0 =	simm.s32 @!p0 $0x3  }
0xb4: {  	_ =	swait.ge @!p0 [sflag:s0], s1  }
0xb5: {  	s1 =	ssub.s32 @!p0 $0x0, s1;
	[sflag:s0] =	ssyncset.done @!p0 $0x0  }
0xb6: {  	[sflag:s0] =	ssyncadd.s32 @!p0 s1  }
0xb7: {  	[bflag:$0x3] =	sbarrier.arrive $0xFFFF  }
0xb8: {  	_ =	shalt  }

</sc_bundles>
